<compile_context>
chip_gen: v7x
topology: tpu7x:2x2x1
jax: 0.10.2.dev20260603
libtpu: 0.0.44.dev20260713+nightly
codegen_flags: <defaults>
</compile_context>

<pallas_src>
import functools

import jax
import jax.numpy as jnp
import numpy as np
from jax import lax
from jax.experimental import pallas as pl
from jax.experimental.pallas import tpu as pltpu
from jax.experimental.pallas import tpu_sc as plsc

F = 26
E = 16
A = 16
B = 4096
FIELD_DIM = 100000
TOTAL = F * FIELD_DIM
_OFFSETS = np.arange(F, dtype=np.int32) * FIELD_DIM

NC, NS = 2, 16
NW = NC * NS
BF = B * F
PER_W = BF // NW
LANES = 128
CHUNKS = PER_W // LANES
RPL = 128 // E
LIN_ROWS = (TOTAL + 127) // 128


def _gather_body(tblr, linr, idx8_hbm, rem8_hbm, idxl_hbm, reml_hbm,
                 emb_out, lin_out, idx8_v, rem8_v, idxl_v, reml_v,
                 stage0, stage1, stage2, stage3, tmp_v, lv_v,
                 sem0, sem1, sem2, sem3):
    wid = lax.axis_index("s") * NC + lax.axis_index("c")
    pltpu.sync_copy(idx8_hbm.at[wid], idx8_v)
    pltpu.sync_copy(rem8_hbm.at[wid], rem8_v)
    pltpu.sync_copy(idxl_hbm.at[wid], idxl_v)
    pltpu.sync_copy(reml_hbm.at[wid], reml_v)
    iota16 = lax.broadcasted_iota(jnp.int32, (16,), 0)

    def extract_emb(j, stage):
        def group(g, c2):
            rows16 = iota16 + g * 16
            rem16 = rem8_v[j, pl.ds(g * 16, 16)]
            lanebase = rem16 * 16
            for e in range(E):
                v = plsc.load_gather(stage, [rows16, lanebase + e])
                plsc.store_scatter(tmp_v, [rows16, jnp.full((16,), e, jnp.int32)], v)
            return c2

        lax.fori_loop(0, LANES // 16, group, 0, unroll=False)
        pltpu.sync_copy(tmp_v, emb_out.at[wid, j])

    def extract_lin(j, stage):
        def group(g, c2):
            rows16 = iota16 + g * 16
            rem16 = reml_v[j, pl.ds(g * 16, 16)]
            v = plsc.load_gather(stage, [rows16, rem16])
            lv_v[j, pl.ds(g * 16, 16)] = v
            return c2

        lax.fori_loop(0, LANES // 16, group, 0, unroll=False)

    pltpu.async_copy(tblr.at[idx8_v.at[0]], stage0, sem0)
    pltpu.async_copy(linr.at[idxl_v.at[0]], stage2, sem2)

    def pair(t, carry):
        j0 = 2 * t
        pltpu.async_copy(tblr.at[idx8_v.at[j0 + 1]], stage1, sem1)
        pltpu.async_copy(linr.at[idxl_v.at[j0 + 1]], stage3, sem3)
        pltpu.make_async_copy(tblr.at[idx8_v.at[j0]], stage0, sem0).wait()
        extract_emb(j0, stage0)

        @pl.when(j0 + 2 < CHUNKS)
        def _():
            pltpu.async_copy(tblr.at[idx8_v.at[j0 + 2]], stage0, sem0)

        pltpu.make_async_copy(linr.at[idxl_v.at[j0]], stage2, sem2).wait()
        extract_lin(j0, stage2)

        @pl.when(j0 + 2 < CHUNKS)
        def _():
            pltpu.async_copy(linr.at[idxl_v.at[j0 + 2]], stage2, sem2)

        pltpu.make_async_copy(tblr.at[idx8_v.at[j0 + 1]], stage1, sem1).wait()
        extract_emb(j0 + 1, stage1)
        pltpu.make_async_copy(linr.at[idxl_v.at[j0 + 1]], stage3, sem3).wait()
        extract_lin(j0 + 1, stage3)
        return carry

    lax.fori_loop(0, CHUNKS // 2, pair, 0, unroll=False)
    pltpu.sync_copy(lv_v, lin_out.at[wid])


def _sc_gather(tableR, linR, idx8, rem8, idxl, reml):
    mesh = plsc.VectorSubcoreMesh(core_axis_name="c", subcore_axis_name="s",
                                  num_cores=NC, num_subcores=NS)
    run = functools.partial(
        pl.kernel,
        out_type=[
            jax.ShapeDtypeStruct((NW, CHUNKS, LANES, E), jnp.float32),
            jax.ShapeDtypeStruct((NW, CHUNKS, LANES), jnp.float32),
        ],
        mesh=mesh,
        scratch_types=[
            pltpu.VMEM((CHUNKS, LANES), jnp.int32),
            pltpu.VMEM((CHUNKS, LANES), jnp.int32),
            pltpu.VMEM((CHUNKS, LANES), jnp.int32),
            pltpu.VMEM((CHUNKS, LANES), jnp.int32),
            pltpu.VMEM((LANES, 128), jnp.float32),
            pltpu.VMEM((LANES, 128), jnp.float32),
            pltpu.VMEM((LANES, 128), jnp.float32),
            pltpu.VMEM((LANES, 128), jnp.float32),
            pltpu.VMEM((LANES, E), jnp.float32),
            pltpu.VMEM((CHUNKS, LANES), jnp.float32),
            pltpu.SemaphoreType.DMA,
            pltpu.SemaphoreType.DMA,
            pltpu.SemaphoreType.DMA,
            pltpu.SemaphoreType.DMA,
        ],
        compiler_params=pltpu.CompilerParams(needs_layout_passes=False),
    )(_gather_body)
    return run(tableR, linR, idx8, rem8, idxl, reml)


RCH = 16384
RGRP = RCH // RPL
RSTEPS = (TOTAL + RCH - 1) // RCH
R_LINES = RSTEPS * RGRP


def _repack_body(xt_ref, out_ref):
    xt = jnp.transpose(xt_ref[...])
    out_ref[...] = jnp.concatenate(
        [xt[RGRP * s:RGRP * (s + 1), :] for s in range(RPL)], axis=1)


def _repack_tc(tableT):
    return pl.pallas_call(
        _repack_body,
        grid=(RSTEPS,),
        in_specs=[pl.BlockSpec((E, RCH), lambda i: (0, i))],
        out_specs=pl.BlockSpec((RGRP, 128), lambda i: (i, 0)),
        out_shape=jax.ShapeDtypeStruct((R_LINES, 128), jnp.float32),
    )(tableT)


BT = 128
FP = 32
W = FP * E


def _afm_body(embp_ref, embr_ref, linv_ref, t16_ref, w32_ref, ab_ref,
              pv_ref, t32_ref, fct_ref, consts_ref, out_ref):
    bf = jnp.bfloat16
    xp = embp_ref[...].astype(bf)
    r2 = jnp.dot(embr_ref[...].astype(bf), t16_ref[...],
                 preferred_element_type=jnp.float32).astype(bf)
    inner = r2.reshape(BT, F, W) * xp[:, None, :]
    inner2 = inner.reshape(BT * F, W)
    att = jnp.dot(inner2, w32_ref[...], preferred_element_type=jnp.float32)
    att = jnp.maximum(att + ab_ref[...], 0.0)
    logits = jnp.dot(att.astype(bf), pv_ref[...],
                     preferred_element_type=jnp.float32)
    logits = logits + consts_ref[0, 0]
    lg3 = logits.reshape(BT, F, FP)
    ii = lax.broadcasted_iota(jnp.int32, (F, FP), 0)
    jj = lax.broadcasted_iota(jnp.int32, (F, FP), 1)
    mask = ((jj > ii) & (jj < F))[None]
    lg3 = jnp.where(mask, lg3, -1e30)
    m = jnp.max(jnp.max(lg3, axis=2), axis=1)
    ex = jnp.where(mask, jnp.exp(lg3 - m[:, None, None]), 0.0)
    s = jnp.sum(jnp.sum(ex, axis=2), axis=1)
    scores = (ex / s[:, None, None]).reshape(BT * F, FP)
    srep = jnp.dot(scores.astype(bf), t32_ref[...],
                   preferred_element_type=jnp.float32).astype(bf)
    ws = (srep * inner2).astype(jnp.float32).reshape(BT, F, W)
    sums = jnp.sum(ws, axis=1)
    afm = jnp.dot(sums.astype(bf), fct_ref[...].astype(bf),
                  preferred_element_type=jnp.float32)
    lin = jnp.sum(linv_ref[...], axis=1, keepdims=True)
    out_ref[...] = lin + afm + consts_ref[0, 1]


def _afm_tc(embp, embr, linv, t16, w32, abt, pv, t32, fct, consts):
    rep = lambda i: (0, 0)
    return pl.pallas_call(
        _afm_body,
        grid=(B // BT,),
        in_specs=[
            pl.BlockSpec((BT, W), lambda i: (i, 0)),
            pl.BlockSpec((BT * F, E), lambda i: (i, 0)),
            pl.BlockSpec((BT, F), lambda i: (i, 0)),
            pl.BlockSpec((E, W), rep),
            pl.BlockSpec((W, W), rep),
            pl.BlockSpec((1, W), rep),
            pl.BlockSpec((W, FP), rep),
            pl.BlockSpec((FP, W), rep),
            pl.BlockSpec((W, 1), rep),
            pl.BlockSpec((1, 2), rep),
        ],
        out_specs=pl.BlockSpec((BT, 1), lambda i: (i, 0)),
        out_shape=jax.ShapeDtypeStruct((B, 1), jnp.float32),
    )(embp, embr, linv, t16, w32, abt, pv, t32, fct, consts)


def kernel(x, table, linear_w, bias, attn_W, attn_b, proj_W, proj_b, fc_W, fc_b):
    tableR = _repack_tc(table.T)
    lin_flat = jnp.concatenate(
        [linear_w[:, 0], jnp.zeros((LIN_ROWS * 128 - TOTAL,), jnp.float32)])
    linR = lin_flat.reshape(LIN_ROWS, 128)
    idx = x + jnp.asarray(_OFFSETS)[None, :]
    idx8 = ((idx // RCH) * RGRP + (idx % RGRP)).reshape(NW, CHUNKS, LANES)
    rem8 = ((idx % RCH) // RGRP).reshape(NW, CHUNKS, LANES)
    idxl = (idx >> 7).reshape(NW, CHUNKS, LANES)
    reml = (idx & 127).reshape(NW, CHUNKS, LANES)
    emb4, lin3 = _sc_gather(tableR, linR, idx8, rem8, idxl, reml)

    embr = emb4.reshape(B * F, E)
    embp = jnp.pad(emb4.reshape(B, F * E), ((0, 0), (0, (FP - F) * E)))
    linv = lin3.reshape(B, F)
    bf = jnp.bfloat16
    eye32 = jnp.eye(FP, dtype=jnp.float32)
    t16 = jnp.tile(jnp.eye(E, dtype=jnp.float32), (1, FP)).astype(bf)
    w32 = jnp.kron(eye32, attn_W).astype(bf)
    abt = jnp.tile(attn_b, FP).reshape(1, W)
    pv = jnp.kron(eye32, proj_W).astype(bf)
    t32 = jnp.kron(eye32, jnp.ones((1, E), jnp.float32)).astype(bf)
    fmask = (jnp.arange(FP) < F).astype(jnp.float32).reshape(FP, 1)
    fct = jnp.kron(fmask, fc_W)
    consts = jnp.stack([proj_b[0], bias[0] + fc_b[0]]).reshape(1, 2)
    return _afm_tc(embp, embr, linv, t16, w32, abt, pv, t32, fct, consts)

# --- scband reference (transcript-rebuilt; emitter-appended) ---
"""Pipeline reference for scband-attentional-factorization-machine-model-9904194585345 (READ-ONLY COPY).

The authoritative reference and input builder live on the scoring server;
editing this copy changes nothing except your own understanding.
"""

import jax, jax.numpy as jnp
import numpy as np

NUM_FIELDS = 26
FIELD_DIM = 100000
EMBED_DIM = 16
ATTN_SIZE = 16
BATCH = 4096
TOTAL = NUM_FIELDS * FIELD_DIM
OFFSETS = np.arange(NUM_FIELDS, dtype=np.int32) * FIELD_DIM
ROW, COL = np.triu_indices(NUM_FIELDS, k=1)


def setup_inputs(seed: int = 0) -> dict:
    key = jax.random.key(seed)
    ks = jax.random.split(key, 10)
    x = jax.random.randint(ks[0], (BATCH, NUM_FIELDS), 0, FIELD_DIM, dtype=jnp.int32)
    table = jax.random.normal(ks[1], (TOTAL, EMBED_DIM), dtype=jnp.float32) * 0.01
    linear_w = jax.random.normal(ks[2], (TOTAL, 1), dtype=jnp.float32) * 0.01
    bias = jnp.zeros((1,), dtype=jnp.float32)
    attn_W = jax.random.normal(ks[3], (EMBED_DIM, ATTN_SIZE), dtype=jnp.float32) * (1.0 / np.sqrt(EMBED_DIM))
    attn_b = jnp.zeros((ATTN_SIZE,), dtype=jnp.float32)
    proj_W = jax.random.normal(ks[4], (ATTN_SIZE, 1), dtype=jnp.float32) * (1.0 / np.sqrt(ATTN_SIZE))
    proj_b = jnp.zeros((1,), dtype=jnp.float32)
    fc_W = jax.random.normal(ks[5], (EMBED_DIM, 1), dtype=jnp.float32) * (1.0 / np.sqrt(EMBED_DIM))
    fc_b = jnp.zeros((1,), dtype=jnp.float32)
    return {"x": x, "table": table, "linear_w": linear_w, "bias": bias,
            "attn_W": attn_W, "attn_b": attn_b, "proj_W": proj_W, "proj_b": proj_b,
            "fc_W": fc_W, "fc_b": fc_b}


def reference(x, table, linear_w, bias, attn_W, attn_b, proj_W, proj_b, fc_W, fc_b):
    offsets = jnp.asarray(OFFSETS)[None, :]
    idx = x + offsets  # (B, F)
    # FeaturesLinear: sum of per-feature scalar weights + bias
    lin = jnp.sum(jnp.take(linear_w, idx, axis=0), axis=1) + bias  # (B, 1)
    # FeaturesEmbedding: gather
    emb = jnp.take(table, idx, axis=0)  # (B, F, E)
    # AttentionalFactorizationMachine
    p = emb[:, ROW]  # (B, P, E)
    q = emb[:, COL]  # (B, P, E)
    inner = p * q  # (B, P, E)
    attn = jax.nn.relu(inner @ attn_W + attn_b)  # (B, P, A)
    scores = jax.nn.softmax(attn @ proj_W + proj_b, axis=1)  # (B, P, 1)
    afm = jnp.sum(scores * inner, axis=1)  # (B, E)
    out = lin + afm @ fc_W + fc_b  # (B, 1)
    return out

if __name__ == "__main__":
    import jax
    _d = setup_inputs()
    print(jax.jit(kernel)(*tuple(_d.values())))

</pallas_src>

<mosaic_0001>
#map = affine_map<(d0, d1) -> (0, 0)>
#map1 = affine_map<(d0, d1) -> (0, 0, 0)>
#map2 = affine_map<(d0, d1) -> (0, 0, 0, 0)>
module attributes {stable_mosaic.version = 14 : i64} {
  func.func @_gather_body(%arg0: i32, %arg1: i32, %arg2: memref<325632x128xf32, #tpu.memory_space<hbm>>, %arg3: memref<20313x128xf32, #tpu.memory_space<hbm>>, %arg4: memref<32x26x128xi32, #tpu.memory_space<hbm>>, %arg5: memref<32x26x128xi32, #tpu.memory_space<hbm>>, %arg6: memref<32x26x128xi32, #tpu.memory_space<hbm>>, %arg7: memref<32x26x128xi32, #tpu.memory_space<hbm>>, %arg8: memref<32x26x128x16xf32, #tpu.memory_space<hbm>>, %arg9: memref<32x26x128xf32, #tpu.memory_space<hbm>>, %arg10: memref<26x128xi32, #tpu.memory_space<vmem>>, %arg11: memref<26x128xi32, #tpu.memory_space<vmem>>, %arg12: memref<26x128xi32, #tpu.memory_space<vmem>>, %arg13: memref<26x128xi32, #tpu.memory_space<vmem>>, %arg14: memref<128x128xf32, #tpu.memory_space<vmem>>, %arg15: memref<128x128xf32, #tpu.memory_space<vmem>>, %arg16: memref<128x128xf32, #tpu.memory_space<vmem>>, %arg17: memref<128x128xf32, #tpu.memory_space<vmem>>, %arg18: memref<128x16xf32, #tpu.memory_space<vmem>>, %arg19: memref<26x128xf32, #tpu.memory_space<vmem>>, %arg20: memref<!tpu.dma_semaphore, #tpu.memory_space<semaphore_mem>>, %arg21: memref<!tpu.dma_semaphore, #tpu.memory_space<semaphore_mem>>, %arg22: memref<!tpu.dma_semaphore, #tpu.memory_space<semaphore_mem>>, %arg23: memref<!tpu.dma_semaphore, #tpu.memory_space<semaphore_mem>>) attributes {dimension_semantics = [#tpu.dimension_semantics<core_parallel>, #tpu.dimension_semantics<subcore_parallel>], iteration_bounds = array<i64: 2, 16>, scalar_prefetch = 0 : i64, scratch_operands = 14 : i64, tpu.core_type = #tpu.core_type<sc_vector_subcore>, window_params = [{transform_indices = #map}, {transform_indices = #map}, {transform_indices = #map1}, {transform_indices = #map1}, {transform_indices = #map1}, {transform_indices = #map1}, {transform_indices = #map2}, {transform_indices = #map1}]} {
    %mul3A = arith.constant 2 : i32
    %mul3A_0 = arith.muli %arg1, %mul3A : i32
    %add3A = arith.addi %mul3A_0, %arg0 : i32
    "tpu.region"() ({
      %run_scoped3A = tpu.sem_alloc : memref<!tpu.dma_semaphore, #tpu.memory_space<semaphore_mem>>
      %dma_start3A_19 = arith.constant 0 : i32
      %dma_start3A_20 = arith.constant 0 : i32
      %dma_start3A_21 = tpu.memref_slice %arg4[%add3A, %dma_start3A_19, %dma_start3A_20] : memref<32x26x128xi32, #tpu.memory_space<hbm>> -> memref<1x26x128xi32, #tpu.memory_space<hbm>>
      %dma_start3A_22 = tpu.memref_squeeze %dma_start3A_21 : memref<1x26x128xi32, #tpu.memory_space<hbm>> -> memref<26x128xi32, #tpu.memory_space<hbm>>
      %dma_start3A_23 = arith.constant 0 : i32
      %dma_start3A_24 = arith.constant 0 : i32
      %dma_start3A_25 = tpu.memref_slice %arg4[%add3A, %dma_start3A_23, %dma_start3A_24] : memref<32x26x128xi32, #tpu.memory_space<hbm>> -> memref<1x26x128xi32, #tpu.memory_space<hbm>>
      %dma_start3A_26 = tpu.memref_squeeze %dma_start3A_25 : memref<1x26x128xi32, #tpu.memory_space<hbm>> -> memref<26x128xi32, #tpu.memory_space<hbm>>
      tpu.enqueue_dma source(%dma_start3A_26 : memref<26x128xi32, #tpu.memory_space<hbm>>) target(%arg10 : memref<26x128xi32, #tpu.memory_space<vmem>>) target_semaphore(%run_scoped3A : memref<!tpu.dma_semaphore, #tpu.memory_space<semaphore_mem>>)
      %dma_wait3A = arith.constant 0 : i32
      %dma_wait3A_27 = arith.constant 0 : i32
      %dma_wait3A_28 = tpu.memref_slice %arg4[%add3A, %dma_wait3A, %dma_wait3A_27] : memref<32x26x128xi32, #tpu.memory_space<hbm>> -> memref<1x26x128xi32, #tpu.memory_space<hbm>>
      %dma_wait3A_29 = tpu.memref_squeeze %dma_wait3A_28 : memref<1x26x128xi32, #tpu.memory_space<hbm>> -> memref<26x128xi32, #tpu.memory_space<hbm>>
      %dma_wait3A_30 = arith.constant 0 : i32
      %dma_wait3A_31 = arith.constant 0 : i32
      %dma_wait3A_32 = tpu.memref_slice %arg4[%add3A, %dma_wait3A_30, %dma_wait3A_31] : memref<32x26x128xi32, #tpu.memory_space<hbm>> -> memref<1x26x128xi32, #tpu.memory_space<hbm>>
      %dma_wait3A_33 = tpu.memref_squeeze %dma_wait3A_32 : memref<1x26x128xi32, #tpu.memory_space<hbm>> -> memref<26x128xi32, #tpu.memory_space<hbm>>
      tpu.wait_dma2 semaphore(%run_scoped3A : memref<!tpu.dma_semaphore, #tpu.memory_space<semaphore_mem>>) src(%dma_wait3A_33 : memref<26x128xi32, #tpu.memory_space<hbm>>) dst(%arg10 : memref<26x128xi32, #tpu.memory_space<vmem>>)
      tpu.yield
    }) : () -> ()
    "tpu.region"() ({
      %run_scoped3A = tpu.sem_alloc : memref<!tpu.dma_semaphore, #tpu.memory_space<semaphore_mem>>
      %dma_start3A_19 = arith.constant 0 : i32
      %dma_start3A_20 = arith.constant 0 : i32
      %dma_start3A_21 = tpu.memref_slice %arg5[%add3A, %dma_start3A_19, %dma_start3A_20] : memref<32x26x128xi32, #tpu.memory_space<hbm>> -> memref<1x26x128xi32, #tpu.memory_space<hbm>>
      %dma_start3A_22 = tpu.memref_squeeze %dma_start3A_21 : memref<1x26x128xi32, #tpu.memory_space<hbm>> -> memref<26x128xi32, #tpu.memory_space<hbm>>
      %dma_start3A_23 = arith.constant 0 : i32
      %dma_start3A_24 = arith.constant 0 : i32
      %dma_start3A_25 = tpu.memref_slice %arg5[%add3A, %dma_start3A_23, %dma_start3A_24] : memref<32x26x128xi32, #tpu.memory_space<hbm>> -> memref<1x26x128xi32, #tpu.memory_space<hbm>>
      %dma_start3A_26 = tpu.memref_squeeze %dma_start3A_25 : memref<1x26x128xi32, #tpu.memory_space<hbm>> -> memref<26x128xi32, #tpu.memory_space<hbm>>
      tpu.enqueue_dma source(%dma_start3A_26 : memref<26x128xi32, #tpu.memory_space<hbm>>) target(%arg11 : memref<26x128xi32, #tpu.memory_space<vmem>>) target_semaphore(%run_scoped3A : memref<!tpu.dma_semaphore, #tpu.memory_space<semaphore_mem>>)
      %dma_wait3A = arith.constant 0 : i32
      %dma_wait3A_27 = arith.constant 0 : i32
      %dma_wait3A_28 = tpu.memref_slice %arg5[%add3A, %dma_wait3A, %dma_wait3A_27] : memref<32x26x128xi32, #tpu.memory_space<hbm>> -> memref<1x26x128xi32, #tpu.memory_space<hbm>>
      %dma_wait3A_29 = tpu.memref_squeeze %dma_wait3A_28 : memref<1x26x128xi32, #tpu.memory_space<hbm>> -> memref<26x128xi32, #tpu.memory_space<hbm>>
      %dma_wait3A_30 = arith.constant 0 : i32
      %dma_wait3A_31 = arith.constant 0 : i32
      %dma_wait3A_32 = tpu.memref_slice %arg5[%add3A, %dma_wait3A_30, %dma_wait3A_31] : memref<32x26x128xi32, #tpu.memory_space<hbm>> -> memref<1x26x128xi32, #tpu.memory_space<hbm>>
      %dma_wait3A_33 = tpu.memref_squeeze %dma_wait3A_32 : memref<1x26x128xi32, #tpu.memory_space<hbm>> -> memref<26x128xi32, #tpu.memory_space<hbm>>
      tpu.wait_dma2 semaphore(%run_scoped3A : memref<!tpu.dma_semaphore, #tpu.memory_space<semaphore_mem>>) src(%dma_wait3A_33 : memref<26x128xi32, #tpu.memory_space<hbm>>) dst(%arg11 : memref<26x128xi32, #tpu.memory_space<vmem>>)
      tpu.yield
    }) : () -> ()
    "tpu.region"() ({
      %run_scoped3A = tpu.sem_alloc : memref<!tpu.dma_semaphore, #tpu.memory_space<semaphore_mem>>
      %dma_start3A_19 = arith.constant 0 : i32
      %dma_start3A_20 = arith.constant 0 : i32
      %dma_start3A_21 = tpu.memref_slice %arg6[%add3A, %dma_start3A_19, %dma_start3A_20] : memref<32x26x128xi32, #tpu.memory_space<hbm>> -> memref<1x26x128xi32, #tpu.memory_space<hbm>>
      %dma_start3A_22 = tpu.memref_squeeze %dma_start3A_21 : memref<1x26x128xi32, #tpu.memory_space<hbm>> -> memref<26x128xi32, #tpu.memory_space<hbm>>
      %dma_start3A_23 = arith.constant 0 : i32
      %dma_start3A_24 = arith.constant 0 : i32
      %dma_start3A_25 = tpu.memref_slice %arg6[%add3A, %dma_start3A_23, %dma_start3A_24] : memref<32x26x128xi32, #tpu.memory_space<hbm>> -> memref<1x26x128xi32, #tpu.memory_space<hbm>>
      %dma_start3A_26 = tpu.memref_squeeze %dma_start3A_25 : memref<1x26x128xi32, #tpu.memory_space<hbm>> -> memref<26x128xi32, #tpu.memory_space<hbm>>
      tpu.enqueue_dma source(%dma_start3A_26 : memref<26x128xi32, #tpu.memory_space<hbm>>) target(%arg12 : memref<26x128xi32, #tpu.memory_space<vmem>>) target_semaphore(%run_scoped3A : memref<!tpu.dma_semaphore, #tpu.memory_space<semaphore_mem>>)
      %dma_wait3A = arith.constant 0 : i32
      %dma_wait3A_27 = arith.constant 0 : i32
      %dma_wait3A_28 = tpu.memref_slice %arg6[%add3A, %dma_wait3A, %dma_wait3A_27] : memref<32x26x128xi32, #tpu.memory_space<hbm>> -> memref<1x26x128xi32, #tpu.memory_space<hbm>>
      %dma_wait3A_29 = tpu.memref_squeeze %dma_wait3A_28 : memref<1x26x128xi32, #tpu.memory_space<hbm>> -> memref<26x128xi32, #tpu.memory_space<hbm>>
      %dma_wait3A_30 = arith.constant 0 : i32
      %dma_wait3A_31 = arith.constant 0 : i32
      %dma_wait3A_32 = tpu.memref_slice %arg6[%add3A, %dma_wait3A_30, %dma_wait3A_31] : memref<32x26x128xi32, #tpu.memory_space<hbm>> -> memref<1x26x128xi32, #tpu.memory_space<hbm>>
      %dma_wait3A_33 = tpu.memref_squeeze %dma_wait3A_32 : memref<1x26x128xi32, #tpu.memory_space<hbm>> -> memref<26x128xi32, #tpu.memory_space<hbm>>
      tpu.wait_dma2 semaphore(%run_scoped3A : memref<!tpu.dma_semaphore, #tpu.memory_space<semaphore_mem>>) src(%dma_wait3A_33 : memref<26x128xi32, #tpu.memory_space<hbm>>) dst(%arg12 : memref<26x128xi32, #tpu.memory_space<vmem>>)
      tpu.yield
    }) : () -> ()
    "tpu.region"() ({
      %run_scoped3A = tpu.sem_alloc : memref<!tpu.dma_semaphore, #tpu.memory_space<semaphore_mem>>
      %dma_start3A_19 = arith.constant 0 : i32
      %dma_start3A_20 = arith.constant 0 : i32
      %dma_start3A_21 = tpu.memref_slice %arg7[%add3A, %dma_start3A_19, %dma_start3A_20] : memref<32x26x128xi32, #tpu.memory_space<hbm>> -> memref<1x26x128xi32, #tpu.memory_space<hbm>>
      %dma_start3A_22 = tpu.memref_squeeze %dma_start3A_21 : memref<1x26x128xi32, #tpu.memory_space<hbm>> -> memref<26x128xi32, #tpu.memory_space<hbm>>
      %dma_start3A_23 = arith.constant 0 : i32
      %dma_start3A_24 = arith.constant 0 : i32
      %dma_start3A_25 = tpu.memref_slice %arg7[%add3A, %dma_start3A_23, %dma_start3A_24] : memref<32x26x128xi32, #tpu.memory_space<hbm>> -> memref<1x26x128xi32, #tpu.memory_space<hbm>>
      %dma_start3A_26 = tpu.memref_squeeze %dma_start3A_25 : memref<1x26x128xi32, #tpu.memory_space<hbm>> -> memref<26x128xi32, #tpu.memory_space<hbm>>
      tpu.enqueue_dma source(%dma_start3A_26 : memref<26x128xi32, #tpu.memory_space<hbm>>) target(%arg13 : memref<26x128xi32, #tpu.memory_space<vmem>>) target_semaphore(%run_scoped3A : memref<!tpu.dma_semaphore, #tpu.memory_space<semaphore_mem>>)
      %dma_wait3A = arith.constant 0 : i32
      %dma_wait3A_27 = arith.constant 0 : i32
      %dma_wait3A_28 = tpu.memref_slice %arg7[%add3A, %dma_wait3A, %dma_wait3A_27] : memref<32x26x128xi32, #tpu.memory_space<hbm>> -> memref<1x26x128xi32, #tpu.memory_space<hbm>>
      %dma_wait3A_29 = tpu.memref_squeeze %dma_wait3A_28 : memref<1x26x128xi32, #tpu.memory_space<hbm>> -> memref<26x128xi32, #tpu.memory_space<hbm>>
      %dma_wait3A_30 = arith.constant 0 : i32
      %dma_wait3A_31 = arith.constant 0 : i32
      %dma_wait3A_32 = tpu.memref_slice %arg7[%add3A, %dma_wait3A_30, %dma_wait3A_31] : memref<32x26x128xi32, #tpu.memory_space<hbm>> -> memref<1x26x128xi32, #tpu.memory_space<hbm>>
      %dma_wait3A_33 = tpu.memref_squeeze %dma_wait3A_32 : memref<1x26x128xi32, #tpu.memory_space<hbm>> -> memref<26x128xi32, #tpu.memory_space<hbm>>
      tpu.wait_dma2 semaphore(%run_scoped3A : memref<!tpu.dma_semaphore, #tpu.memory_space<semaphore_mem>>) src(%dma_wait3A_33 : memref<26x128xi32, #tpu.memory_space<hbm>>) dst(%arg13 : memref<26x128xi32, #tpu.memory_space<vmem>>)
      tpu.yield
    }) : () -> ()
    %iota3A = tpu.iota {dimensions = array<i32: 0>} : vector<16xi32>
    %dma_start3A = arith.constant 0 : i32
    %dma_start3A_1 = arith.constant 0 : i32
    %dma_start3A_2 = tpu.memref_slice %arg10[%dma_start3A, %dma_start3A_1] : memref<26x128xi32, #tpu.memory_space<vmem>> -> memref<1x128xi32, #tpu.memory_space<vmem>>
    %dma_start3A_3 = tpu.memref_squeeze %dma_start3A_2 : memref<1x128xi32, #tpu.memory_space<vmem>> -> memref<128xi32, #tpu.memory_space<vmem>>
    %dma_start3A_4 = arith.constant 0 : i32
    %dma_start3A_5 = arith.constant 0 : i32
    %dma_start3A_6 = tpu.memref_slice %arg2[%dma_start3A_4, %dma_start3A_5] : memref<325632x128xf32, #tpu.memory_space<hbm>> -> memref<325632x128xf32, #tpu.memory_space<hbm>>
    tpu.enqueue_indirect_dma source(%dma_start3A_6 : memref<325632x128xf32, #tpu.memory_space<hbm>>) target(%arg14 : memref<128x128xf32, #tpu.memory_space<vmem>>) offsets(%dma_start3A_3 : memref<128xi32, #tpu.memory_space<vmem>>) semaphore(%arg20 : memref<!tpu.dma_semaphore, #tpu.memory_space<semaphore_mem>>)
    %dma_start3A_7 = arith.constant 0 : i32
    %dma_start3A_8 = arith.constant 0 : i32
    %dma_start3A_9 = tpu.memref_slice %arg12[%dma_start3A_7, %dma_start3A_8] : memref<26x128xi32, #tpu.memory_space<vmem>> -> memref<1x128xi32, #tpu.memory_space<vmem>>
    %dma_start3A_10 = tpu.memref_squeeze %dma_start3A_9 : memref<1x128xi32, #tpu.memory_space<vmem>> -> memref<128xi32, #tpu.memory_space<vmem>>
    %dma_start3A_11 = arith.constant 0 : i32
    %dma_start3A_12 = arith.constant 0 : i32
    %dma_start3A_13 = tpu.memref_slice %arg3[%dma_start3A_11, %dma_start3A_12] : memref<20313x128xf32, #tpu.memory_space<hbm>> -> memref<20313x128xf32, #tpu.memory_space<hbm>>
    tpu.enqueue_indirect_dma source(%dma_start3A_13 : memref<20313x128xf32, #tpu.memory_space<hbm>>) target(%arg16 : memref<128x128xf32, #tpu.memory_space<vmem>>) offsets(%dma_start3A_10 : memref<128xi32, #tpu.memory_space<vmem>>) semaphore(%arg22 : memref<!tpu.dma_semaphore, #tpu.memory_space<semaphore_mem>>)
    %scan3A = arith.constant 0 : i32
    %scan3A_14 = arith.constant 0 : i32
    %scan3A_15 = arith.constant 13 : i32
    %scan3A_16 = arith.addi %scan3A_14, %scan3A_15 : i32
    %scan3A_17 = arith.constant 1 : i32
    scf.for %scan3A_19 = %scan3A_14 to %scan3A_16 step %scan3A_17  : i32 {
      %mul3A_20 = arith.constant 2 : i32
      %mul3A_21 = arith.muli %mul3A_20, %scan3A_19 : i32
      %add3A_22 = arith.constant 1 : i32
      %add3A_23 = arith.addi %mul3A_21, %add3A_22 : i32
      %dma_start3A_24 = arith.constant 0 : i32
      %dma_start3A_25 = tpu.memref_slice %arg10[%add3A_23, %dma_start3A_24] : memref<26x128xi32, #tpu.memory_space<vmem>> -> memref<1x128xi32, #tpu.memory_space<vmem>>
      %dma_start3A_26 = tpu.memref_squeeze %dma_start3A_25 : memref<1x128xi32, #tpu.memory_space<vmem>> -> memref<128xi32, #tpu.memory_space<vmem>>
      %dma_start3A_27 = arith.constant 0 : i32
      %dma_start3A_28 = arith.constant 0 : i32
      %dma_start3A_29 = tpu.memref_slice %arg2[%dma_start3A_27, %dma_start3A_28] : memref<325632x128xf32, #tpu.memory_space<hbm>> -> memref<325632x128xf32, #tpu.memory_space<hbm>>
      tpu.enqueue_indirect_dma source(%dma_start3A_29 : memref<325632x128xf32, #tpu.memory_space<hbm>>) target(%arg15 : memref<128x128xf32, #tpu.memory_space<vmem>>) offsets(%dma_start3A_26 : memref<128xi32, #tpu.memory_space<vmem>>) semaphore(%arg21 : memref<!tpu.dma_semaphore, #tpu.memory_space<semaphore_mem>>)
      %add3A_30 = arith.constant 1 : i32
      %add3A_31 = arith.addi %mul3A_21, %add3A_30 : i32
      %dma_start3A_32 = arith.constant 0 : i32
      %dma_start3A_33 = tpu.memref_slice %arg12[%add3A_31, %dma_start3A_32] : memref<26x128xi32, #tpu.memory_space<vmem>> -> memref<1x128xi32, #tpu.memory_space<vmem>>
      %dma_start3A_34 = tpu.memref_squeeze %dma_start3A_33 : memref<1x128xi32, #tpu.memory_space<vmem>> -> memref<128xi32, #tpu.memory_space<vmem>>
      %dma_start3A_35 = arith.constant 0 : i32
      %dma_start3A_36 = arith.constant 0 : i32
      %dma_start3A_37 = tpu.memref_slice %arg3[%dma_start3A_35, %dma_start3A_36] : memref<20313x128xf32, #tpu.memory_space<hbm>> -> memref<20313x128xf32, #tpu.memory_space<hbm>>
      tpu.enqueue_indirect_dma source(%dma_start3A_37 : memref<20313x128xf32, #tpu.memory_space<hbm>>) target(%arg17 : memref<128x128xf32, #tpu.memory_space<vmem>>) offsets(%dma_start3A_34 : memref<128xi32, #tpu.memory_space<vmem>>) semaphore(%arg23 : memref<!tpu.dma_semaphore, #tpu.memory_space<semaphore_mem>>)
      %dma_wait3A = arith.constant 0 : i32
      %dma_wait3A_38 = tpu.memref_slice %arg10[%mul3A_21, %dma_wait3A] : memref<26x128xi32, #tpu.memory_space<vmem>> -> memref<1x128xi32, #tpu.memory_space<vmem>>
      %dma_wait3A_39 = tpu.memref_squeeze %dma_wait3A_38 : memref<1x128xi32, #tpu.memory_space<vmem>> -> memref<128xi32, #tpu.memory_space<vmem>>
      %dma_wait3A_40 = arith.constant 0 : i32
      %dma_wait3A_41 = arith.constant 0 : i32
      %dma_wait3A_42 = tpu.memref_slice %arg2[%dma_wait3A_40, %dma_wait3A_41] : memref<325632x128xf32, #tpu.memory_space<hbm>> -> memref<325632x128xf32, #tpu.memory_space<hbm>>
      tpu.wait_indirect_dma semaphore(%arg20 : memref<!tpu.dma_semaphore, #tpu.memory_space<semaphore_mem>>) src(%dma_wait3A_42 : memref<325632x128xf32, #tpu.memory_space<hbm>>) dst(%arg14 : memref<128x128xf32, #tpu.memory_space<vmem>>)
      %scan3A_43 = arith.constant 0 : i32
      %scan3A_44 = arith.constant 0 : i32
      %scan3A_45 = arith.constant 8 : i32
      %scan3A_46 = arith.addi %scan3A_44, %scan3A_45 : i32
      %scan3A_47 = arith.constant 1 : i32
      scf.for %scan3A_104 = %scan3A_44 to %scan3A_46 step %scan3A_47  : i32 {
        %mul3A_105 = arith.constant 16 : i32
        %mul3A_106 = arith.muli %scan3A_104, %mul3A_105 : i32
        %add3A_107 = vector.broadcast %mul3A_106 : i32 to vector<16xi32>
        %add3A_108 = arith.addi %iota3A, %add3A_107 : vector<16xi32>
        %mul3A_109 = arith.constant 16 : i32
        %mul3A_110 = arith.muli %scan3A_104, %mul3A_109 : i32
        %get3A = arith.index_cast %mul3A_21 : i32 to index
        %get3A_111 = arith.index_cast %mul3A_110 : i32 to index
        %get3A_112 = tpu.vector_load %arg11[%get3A, %get3A_111] {strides = array<i32>} : memref<26x128xi32, #tpu.memory_space<vmem>>, vector<16xi32>,
        %mul3A_113 = arith.constant 16 : i32
        %mul3A_114 = vector.broadcast %mul3A_113 : i32 to vector<16xi32>
        %mul3A_115 = arith.muli %get3A_112, %mul3A_114 : vector<16xi32>
        %add3A_116 = arith.constant 0 : i32
        %add3A_117 = vector.broadcast %add3A_116 : i32 to vector<16xi32>
        %add3A_118 = arith.addi %mul3A_115, %add3A_117 : vector<16xi32>
        %gather3A = tpu.vector_load_idx %arg14[%add3A_108, %add3A_118] : memref<128x128xf32, #tpu.memory_space<vmem>>[vector<16xi32>, vector<16xi32>], vector<16xf32>,
        %broadcast_in_dim3A = arith.constant 0 : i32
        %broadcast_in_dim3A_119 = vector.broadcast %broadcast_in_dim3A : i32 to vector<16xi32>
        tpu.vector_store_idx %arg18[%add3A_108, %broadcast_in_dim3A_119], %gather3A : memref<128x16xf32, #tpu.memory_space<vmem>>[vector<16xi32>, vector<16xi32>], vector<16xf32>,
        %add3A_120 = arith.constant 1 : i32
        %add3A_121 = vector.broadcast %add3A_120 : i32 to vector<16xi32>
        %add3A_122 = arith.addi %mul3A_115, %add3A_121 : vector<16xi32>
        %gather3A_123 = tpu.vector_load_idx %arg14[%add3A_108, %add3A_122] : memref<128x128xf32, #tpu.memory_space<vmem>>[vector<16xi32>, vector<16xi32>], vector<16xf32>,
        %broadcast_in_dim3A_124 = arith.constant 1 : i32
        %broadcast_in_dim3A_125 = vector.broadcast %broadcast_in_dim3A_124 : i32 to vector<16xi32>
        tpu.vector_store_idx %arg18[%add3A_108, %broadcast_in_dim3A_125], %gather3A_123 : memref<128x16xf32, #tpu.memory_space<vmem>>[vector<16xi32>, vector<16xi32>], vector<16xf32>,
        %add3A_126 = arith.constant 2 : i32
        %add3A_127 = vector.broadcast %add3A_126 : i32 to vector<16xi32>
        %add3A_128 = arith.addi %mul3A_115, %add3A_127 : vector<16xi32>
        %gather3A_129 = tpu.vector_load_idx %arg14[%add3A_108, %add3A_128] : memref<128x128xf32, #tpu.memory_space<vmem>>[vector<16xi32>, vector<16xi32>], vector<16xf32>,
        %broadcast_in_dim3A_130 = arith.constant 2 : i32
        %broadcast_in_dim3A_131 = vector.broadcast %broadcast_in_dim3A_130 : i32 to vector<16xi32>
        tpu.vector_store_idx %arg18[%add3A_108, %broadcast_in_dim3A_131], %gather3A_129 : memref<128x16xf32, #tpu.memory_space<vmem>>[vector<16xi32>, vector<16xi32>], vector<16xf32>,
        %add3A_132 = arith.constant 3 : i32
        %add3A_133 = vector.broadcast %add3A_132 : i32 to vector<16xi32>
        %add3A_134 = arith.addi %mul3A_115, %add3A_133 : vector<16xi32>
        %gather3A_135 = tpu.vector_load_idx %arg14[%add3A_108, %add3A_134] : memref<128x128xf32, #tpu.memory_space<vmem>>[vector<16xi32>, vector<16xi32>], vector<16xf32>,
        %broadcast_in_dim3A_136 = arith.constant 3 : i32
        %broadcast_in_dim3A_137 = vector.broadcast %broadcast_in_dim3A_136 : i32 to vector<16xi32>
        tpu.vector_store_idx %arg18[%add3A_108, %broadcast_in_dim3A_137], %gather3A_135 : memref<128x16xf32, #tpu.memory_space<vmem>>[vector<16xi32>, vector<16xi32>], vector<16xf32>,
        %add3A_138 = arith.constant 4 : i32
        %add3A_139 = vector.broadcast %add3A_138 : i32 to vector<16xi32>
        %add3A_140 = arith.addi %mul3A_115, %add3A_139 : vector<16xi32>
        %gather3A_141 = tpu.vector_load_idx %arg14[%add3A_108, %add3A_140] : memref<128x128xf32, #tpu.memory_space<vmem>>[vector<16xi32>, vector<16xi32>], vector<16xf32>,
        %broadcast_in_dim3A_142 = arith.constant 4 : i32
        %broadcast_in_dim3A_143 = vector.broadcast %broadcast_in_dim3A_142 : i32 to vector<16xi32>
        tpu.vector_store_idx %arg18[%add3A_108, %broadcast_in_dim3A_143], %gather3A_141 : memref<128x16xf32, #tpu.memory_space<vmem>>[vector<16xi32>, vector<16xi32>], vector<16xf32>,
        %add3A_144 = arith.constant 5 : i32
        %add3A_145 = vector.broadcast %add3A_144 : i32 to vector<16xi32>
        %add3A_146 = arith.addi %mul3A_115, %add3A_145 : vector<16xi32>
        %gather3A_147 = tpu.vector_load_idx %arg14[%add3A_108, %add3A_146] : memref<128x128xf32, #tpu.memory_space<vmem>>[vector<16xi32>, vector<16xi32>], vector<16xf32>,
        %broadcast_in_dim3A_148 = arith.constant 5 : i32
        %broadcast_in_dim3A_149 = vector.broadcast %broadcast_in_dim3A_148 : i32 to vector<16xi32>
        tpu.vector_store_idx %arg18[%add3A_108, %broadcast_in_dim3A_149], %gather3A_147 : memref<128x16xf32, #tpu.memory_space<vmem>>[vector<16xi32>, vector<16xi32>], vector<16xf32>,
        %add3A_150 = arith.constant 6 : i32
        %add3A_151 = vector.broadcast %add3A_150 : i32 to vector<16xi32>
        %add3A_152 = arith.addi %mul3A_115, %add3A_151 : vector<16xi32>
        %gather3A_153 = tpu.vector_load_idx %arg14[%add3A_108, %add3A_152] : memref<128x128xf32, #tpu.memory_space<vmem>>[vector<16xi32>, vector<16xi32>], vector<16xf32>,
        %broadcast_in_dim3A_154 = arith.constant 6 : i32
        %broadcast_in_dim3A_155 = vector.broadcast %broadcast_in_dim3A_154 : i32 to vector<16xi32>
        tpu.vector_store_idx %arg18[%add3A_108, %broadcast_in_dim3A_155], %gather3A_153 : memref<128x16xf32, #tpu.memory_space<vmem>>[vector<16xi32>, vector<16xi32>], vector<16xf32>,
        %add3A_156 = arith.constant 7 : i32
        %add3A_157 = vector.broadcast %add3A_156 : i32 to vector<16xi32>
        %add3A_158 = arith.addi %mul3A_115, %add3A_157 : vector<16xi32>
        %gather3A_159 = tpu.vector_load_idx %arg14[%add3A_108, %add3A_158] : memref<128x128xf32, #tpu.memory_space<vmem>>[vector<16xi32>, vector<16xi32>], vector<16xf32>,
        %broadcast_in_dim3A_160 = arith.constant 7 : i32
        %broadcast_in_dim3A_161 = vector.broadcast %broadcast_in_dim3A_160 : i32 to vector<16xi32>
        tpu.vector_store_idx %arg18[%add3A_108, %broadcast_in_dim3A_161], %gather3A_159 : memref<128x16xf32, #tpu.memory_space<vmem>>[vector<16xi32>, vector<16xi32>], vector<16xf32>,
        %add3A_162 = arith.constant 8 : i32
        %add3A_163 = vector.broadcast %add3A_162 : i32 to vector<16xi32>
        %add3A_164 = arith.addi %mul3A_115, %add3A_163 : vector<16xi32>
        %gather3A_165 = tpu.vector_load_idx %arg14[%add3A_108, %add3A_164] : memref<128x128xf32, #tpu.memory_space<vmem>>[vector<16xi32>, vector<16xi32>], vector<16xf32>,
        %broadcast_in_dim3A_166 = arith.constant 8 : i32
        %broadcast_in_dim3A_167 = vector.broadcast %broadcast_in_dim3A_166 : i32 to vector<16xi32>
        tpu.vector_store_idx %arg18[%add3A_108, %broadcast_in_dim3A_167], %gather3A_165 : memref<128x16xf32, #tpu.memory_space<vmem>>[vector<16xi32>, vector<16xi32>], vector<16xf32>,
        %add3A_168 = arith.constant 9 : i32
        %add3A_169 = vector.broadcast %add3A_168 : i32 to vector<16xi32>
        %add3A_170 = arith.addi %mul3A_115, %add3A_169 : vector<16xi32>
        %gather3A_171 = tpu.vector_load_idx %arg14[%add3A_108, %add3A_170] : memref<128x128xf32, #tpu.memory_space<vmem>>[vector<16xi32>, vector<16xi32>], vector<16xf32>,
        %broadcast_in_dim3A_172 = arith.constant 9 : i32
        %broadcast_in_dim3A_173 = vector.broadcast %broadcast_in_dim3A_172 : i32 to vector<16xi32>
        tpu.vector_store_idx %arg18[%add3A_108, %broadcast_in_dim3A_173], %gather3A_171 : memref<128x16xf32, #tpu.memory_space<vmem>>[vector<16xi32>, vector<16xi32>], vector<16xf32>,
        %add3A_174 = arith.constant 10 : i32
        %add3A_175 = vector.broadcast %add3A_174 : i32 to vector<16xi32>
        %add3A_176 = arith.addi %mul3A_115, %add3A_175 : vector<16xi32>
        %gather3A_177 = tpu.vector_load_idx %arg14[%add3A_108, %add3A_176] : memref<128x128xf32, #tpu.memory_space<vmem>>[vector<16xi32>, vector<16xi32>], vector<16xf32>,
        %broadcast_in_dim3A_178 = arith.constant 10 : i32
        %broadcast_in_dim3A_179 = vector.broadcast %broadcast_in_dim3A_178 : i32 to vector<16xi32>
        tpu.vector_store_idx %arg18[%add3A_108, %broadcast_in_dim3A_179], %gather3A_177 : memref<128x16xf32, #tpu.memory_space<vmem>>[vector<16xi32>, vector<16xi32>], vector<16xf32>,
        %add3A_180 = arith.constant 11 : i32
        %add3A_181 = vector.broadcast %add3A_180 : i32 to vector<16xi32>
        %add3A_182 = arith.addi %mul3A_115, %add3A_181 : vector<16xi32>
        %gather3A_183 = tpu.vector_load_idx %arg14[%add3A_108, %add3A_182] : memref<128x128xf32, #tpu.memory_space<vmem>>[vector<16xi32>, vector<16xi32>], vector<16xf32>,
        %broadcast_in_dim3A_184 = arith.constant 11 : i32
        %broadcast_in_dim3A_185 = vector.broadcast %broadcast_in_dim3A_184 : i32 to vector<16xi32>
        tpu.vector_store_idx %arg18[%add3A_108, %broadcast_in_dim3A_185], %gather3A_183 : memref<128x16xf32, #tpu.memory_space<vmem>>[vector<16xi32>, vector<16xi32>], vector<16xf32>,
        %add3A_186 = arith.constant 12 : i32
        %add3A_187 = vector.broadcast %add3A_186 : i32 to vector<16xi32>
        %add3A_188 = arith.addi %mul3A_115, %add3A_187 : vector<16xi32>
        %gather3A_189 = tpu.vector_load_idx %arg14[%add3A_108, %add3A_188] : memref<128x128xf32, #tpu.memory_space<vmem>>[vector<16xi32>, vector<16xi32>], vector<16xf32>,
        %broadcast_in_dim3A_190 = arith.constant 12 : i32
        %broadcast_in_dim3A_191 = vector.broadcast %broadcast_in_dim3A_190 : i32 to vector<16xi32>
        tpu.vector_store_idx %arg18[%add3A_108, %broadcast_in_dim3A_191], %gather3A_189 : memref<128x16xf32, #tpu.memory_space<vmem>>[vector<16xi32>, vector<16xi32>], vector<16xf32>,
        %add3A_192 = arith.constant 13 : i32
        %add3A_193 = vector.broadcast %add3A_192 : i32 to vector<16xi32>
        %add3A_194 = arith.addi %mul3A_115, %add3A_193 : vector<16xi32>
        %gather3A_195 = tpu.vector_load_idx %arg14[%add3A_108, %add3A_194] : memref<128x128xf32, #tpu.memory_space<vmem>>[vector<16xi32>, vector<16xi32>], vector<16xf32>,
        %broadcast_in_dim3A_196 = arith.constant 13 : i32
        %broadcast_in_dim3A_197 = vector.broadcast %broadcast_in_dim3A_196 : i32 to vector<16xi32>
        tpu.vector_store_idx %arg18[%add3A_108, %broadcast_in_dim3A_197], %gather3A_195 : memref<128x16xf32, #tpu.memory_space<vmem>>[vector<16xi32>, vector<16xi32>], vector<16xf32>,
        %add3A_198 = arith.constant 14 : i32
        %add3A_199 = vector.broadcast %add3A_198 : i32 to vector<16xi32>
        %add3A_200 = arith.addi %mul3A_115, %add3A_199 : vector<16xi32>
        %gather3A_201 = tpu.vector_load_idx %arg14[%add3A_108, %add3A_200] : memref<128x128xf32, #tpu.memory_space<vmem>>[vector<16xi32>, vector<16xi32>], vector<16xf32>,
        %broadcast_in_dim3A_202 = arith.constant 14 : i32
        %broadcast_in_dim3A_203 = vector.broadcast %broadcast_in_dim3A_202 : i32 to vector<16xi32>
        tpu.vector_store_idx %arg18[%add3A_108, %broadcast_in_dim3A_203], %gather3A_201 : memref<128x16xf32, #tpu.memory_space<vmem>>[vector<16xi32>, vector<16xi32>], vector<16xf32>,
        %add3A_204 = arith.constant 15 : i32
        %add3A_205 = vector.broadcast %add3A_204 : i32 to vector<16xi32>
        %add3A_206 = arith.addi %mul3A_115, %add3A_205 : vector<16xi32>
        %gather3A_207 = tpu.vector_load_idx %arg14[%add3A_108, %add3A_206] : memref<128x128xf32, #tpu.memory_space<vmem>>[vector<16xi32>, vector<16xi32>], vector<16xf32>,
        %broadcast_in_dim3A_208 = arith.constant 15 : i32
        %broadcast_in_dim3A_209 = vector.broadcast %broadcast_in_dim3A_208 : i32 to vector<16xi32>
        tpu.vector_store_idx %arg18[%add3A_108, %broadcast_in_dim3A_209], %gather3A_207 : memref<128x16xf32, #tpu.memory_space<vmem>>[vector<16xi32>, vector<16xi32>], vector<16xf32>,
      }
      %scan3A_48 = arith.constant 8 : i32
      "tpu.region"() ({
        %run_scoped3A = tpu.sem_alloc : memref<!tpu.dma_semaphore, #tpu.memory_space<semaphore_mem>>
        %dma_start3A_104 = arith.constant 0 : i32
        %dma_start3A_105 = arith.constant 0 : i32
        %dma_start3A_106 = tpu.memref_slice %arg8[%add3A, %mul3A_21, %dma_start3A_104, %dma_start3A_105] : memref<32x26x128x16xf32, #tpu.memory_space<hbm>> -> memref<1x1x128x16xf32, #tpu.memory_space<hbm>>
        %dma_start3A_107 = tpu.memref_squeeze %dma_start3A_106 : memref<1x1x128x16xf32, #tpu.memory_space<hbm>> -> memref<128x16xf32, #tpu.memory_space<hbm>>
        %dma_start3A_108 = arith.constant 0 : i32
        %dma_start3A_109 = arith.constant 0 : i32
        %dma_start3A_110 = tpu.memref_slice %arg8[%add3A, %mul3A_21, %dma_start3A_108, %dma_start3A_109] : memref<32x26x128x16xf32, #tpu.memory_space<hbm>> -> memref<1x1x128x16xf32, #tpu.memory_space<hbm>>
        %dma_start3A_111 = tpu.memref_squeeze %dma_start3A_110 : memref<1x1x128x16xf32, #tpu.memory_space<hbm>> -> memref<128x16xf32, #tpu.memory_space<hbm>>
        tpu.enqueue_dma source(%arg18 : memref<128x16xf32, #tpu.memory_space<vmem>>) target(%dma_start3A_111 : memref<128x16xf32, #tpu.memory_space<hbm>>) target_semaphore(%run_scoped3A : memref<!tpu.dma_semaphore, #tpu.memory_space<semaphore_mem>>)
        %dma_wait3A_112 = arith.constant 0 : i32
        %dma_wait3A_113 = arith.constant 0 : i32
        %dma_wait3A_114 = tpu.memref_slice %arg8[%add3A, %mul3A_21, %dma_wait3A_112, %dma_wait3A_113] : memref<32x26x128x16xf32, #tpu.memory_space<hbm>> -> memref<1x1x128x16xf32, #tpu.memory_space<hbm>>
        %dma_wait3A_115 = tpu.memref_squeeze %dma_wait3A_114 : memref<1x1x128x16xf32, #tpu.memory_space<hbm>> -> memref<128x16xf32, #tpu.memory_space<hbm>>
        %dma_wait3A_116 = arith.constant 0 : i32
        %dma_wait3A_117 = arith.constant 0 : i32
        %dma_wait3A_118 = tpu.memref_slice %arg8[%add3A, %mul3A_21, %dma_wait3A_116, %dma_wait3A_117] : memref<32x26x128x16xf32, #tpu.memory_space<hbm>> -> memref<1x1x128x16xf32, #tpu.memory_space<hbm>>
        %dma_wait3A_119 = tpu.memref_squeeze %dma_wait3A_118 : memref<1x1x128x16xf32, #tpu.memory_space<hbm>> -> memref<128x16xf32, #tpu.memory_space<hbm>>
        tpu.wait_dma2 semaphore(%run_scoped3A : memref<!tpu.dma_semaphore, #tpu.memory_space<semaphore_mem>>) src(%arg18 : memref<128x16xf32, #tpu.memory_space<vmem>>) dst(%dma_wait3A_119 : memref<128x16xf32, #tpu.memory_space<hbm>>)
        tpu.yield
      }) : () -> ()
      %add3A_49 = arith.constant 2 : i32
      %add3A_50 = arith.addi %mul3A_21, %add3A_49 : i32
      %lt3A = arith.constant 26 : i32
      %lt3A_51 = arith.cmpi slt, %add3A_50, %lt3A : i32
      %convert_element_type3A = arith.extui %lt3A_51 : i1 to i32
      %cond3A = arith.constant 0 : i32
      %cond3A_52 = arith.cmpi ne, %convert_element_type3A, %cond3A : i32
      scf.if %cond3A_52 {
        %add3A_104 = arith.constant 2 : i32
        %add3A_105 = arith.addi %mul3A_21, %add3A_104 : i32
        %dma_start3A_106 = arith.constant 0 : i32
        %dma_start3A_107 = tpu.memref_slice %arg10[%add3A_105, %dma_start3A_106] : memref<26x128xi32, #tpu.memory_space<vmem>> -> memref<1x128xi32, #tpu.memory_space<vmem>>
        %dma_start3A_108 = tpu.memref_squeeze %dma_start3A_107 : memref<1x128xi32, #tpu.memory_space<vmem>> -> memref<128xi32, #tpu.memory_space<vmem>>
        %dma_start3A_109 = arith.constant 0 : i32
        %dma_start3A_110 = arith.constant 0 : i32
        %dma_start3A_111 = tpu.memref_slice %arg2[%dma_start3A_109, %dma_start3A_110] : memref<325632x128xf32, #tpu.memory_space<hbm>> -> memref<325632x128xf32, #tpu.memory_space<hbm>>
        tpu.enqueue_indirect_dma source(%dma_start3A_111 : memref<325632x128xf32, #tpu.memory_space<hbm>>) target(%arg14 : memref<128x128xf32, #tpu.memory_space<vmem>>) offsets(%dma_start3A_108 : memref<128xi32, #tpu.memory_space<vmem>>) semaphore(%arg20 : memref<!tpu.dma_semaphore, #tpu.memory_space<semaphore_mem>>)
      } else {
      }
      %dma_wait3A_53 = arith.constant 0 : i32
      %dma_wait3A_54 = tpu.memref_slice %arg12[%mul3A_21, %dma_wait3A_53] : memref<26x128xi32, #tpu.memory_space<vmem>> -> memref<1x128xi32, #tpu.memory_space<vmem>>
      %dma_wait3A_55 = tpu.memref_squeeze %dma_wait3A_54 : memref<1x128xi32, #tpu.memory_space<vmem>> -> memref<128xi32, #tpu.memory_space<vmem>>
      %dma_wait3A_56 = arith.constant 0 : i32
      %dma_wait3A_57 = arith.constant 0 : i32
      %dma_wait3A_58 = tpu.memref_slice %arg3[%dma_wait3A_56, %dma_wait3A_57] : memref<20313x128xf32, #tpu.memory_space<hbm>> -> memref<20313x128xf32, #tpu.memory_space<hbm>>
      tpu.wait_indirect_dma semaphore(%arg22 : memref<!tpu.dma_semaphore, #tpu.memory_space<semaphore_mem>>) src(%dma_wait3A_58 : memref<20313x128xf32, #tpu.memory_space<hbm>>) dst(%arg16 : memref<128x128xf32, #tpu.memory_space<vmem>>)
      %scan3A_59 = arith.constant 0 : i32
      %scan3A_60 = arith.constant 0 : i32
      %scan3A_61 = arith.constant 8 : i32
      %scan3A_62 = arith.addi %scan3A_60, %scan3A_61 : i32
      %scan3A_63 = arith.constant 1 : i32
      scf.for %scan3A_104 = %scan3A_60 to %scan3A_62 step %scan3A_63  : i32 {
        %mul3A_105 = arith.constant 16 : i32
        %mul3A_106 = arith.muli %scan3A_104, %mul3A_105 : i32
        %add3A_107 = vector.broadcast %mul3A_106 : i32 to vector<16xi32>
        %add3A_108 = arith.addi %iota3A, %add3A_107 : vector<16xi32>
        %mul3A_109 = arith.constant 16 : i32
        %mul3A_110 = arith.muli %scan3A_104, %mul3A_109 : i32
        %get3A = arith.index_cast %mul3A_21 : i32 to index
        %get3A_111 = arith.index_cast %mul3A_110 : i32 to index
        %get3A_112 = tpu.vector_load %arg13[%get3A, %get3A_111] {strides = array<i32>} : memref<26x128xi32, #tpu.memory_space<vmem>>, vector<16xi32>,
        %gather3A = tpu.vector_load_idx %arg16[%add3A_108, %get3A_112] : memref<128x128xf32, #tpu.memory_space<vmem>>[vector<16xi32>, vector<16xi32>], vector<16xf32>,
        %mul3A_113 = arith.constant 16 : i32
        %mul3A_114 = arith.muli %scan3A_104, %mul3A_113 : i32
        %swap3A = arith.index_cast %mul3A_21 : i32 to index
        %swap3A_115 = arith.index_cast %mul3A_114 : i32 to index
        %swap3A_116 = tpu.vector_load %arg19[%swap3A, %swap3A_115] {strides = array<i32>} : memref<26x128xf32, #tpu.memory_space<vmem>>, vector<16xf32>,
        tpu.vector_store %arg19[%swap3A, %swap3A_115], %gather3A {strides = array<i32>} : memref<26x128xf32, #tpu.memory_space<vmem>>, vector<16xf32>,
      }
      %scan3A_64 = arith.constant 8 : i32
      %add3A_65 = arith.constant 2 : i32
      %add3A_66 = arith.addi %mul3A_21, %add3A_65 : i32
      %lt3A_67 = arith.constant 26 : i32
      %lt3A_68 = arith.cmpi slt, %add3A_66, %lt3A_67 : i32
      %convert_element_type3A_69 = arith.extui %lt3A_68 : i1 to i32
      %cond3A_70 = arith.constant 0 : i32
      %cond3A_71 = arith.cmpi ne, %convert_element_type3A_69, %cond3A_70 : i32
      scf.if %cond3A_71 {
        %add3A_104 = arith.constant 2 : i32
        %add3A_105 = arith.addi %mul3A_21, %add3A_104 : i32
        %dma_start3A_106 = arith.constant 0 : i32
        %dma_start3A_107 = tpu.memref_slice %arg12[%add3A_105, %dma_start3A_106] : memref<26x128xi32, #tpu.memory_space<vmem>> -> memref<1x128xi32, #tpu.memory_space<vmem>>
        %dma_start3A_108 = tpu.memref_squeeze %dma_start3A_107 : memref<1x128xi32, #tpu.memory_space<vmem>> -> memref<128xi32, #tpu.memory_space<vmem>>
        %dma_start3A_109 = arith.constant 0 : i32
        %dma_start3A_110 = arith.constant 0 : i32
        %dma_start3A_111 = tpu.memref_slice %arg3[%dma_start3A_109, %dma_start3A_110] : memref<20313x128xf32, #tpu.memory_space<hbm>> -> memref<20313x128xf32, #tpu.memory_space<hbm>>
        tpu.enqueue_indirect_dma source(%dma_start3A_111 : memref<20313x128xf32, #tpu.memory_space<hbm>>) target(%arg16 : memref<128x128xf32, #tpu.memory_space<vmem>>) offsets(%dma_start3A_108 : memref<128xi32, #tpu.memory_space<vmem>>) semaphore(%arg22 : memref<!tpu.dma_semaphore, #tpu.memory_space<semaphore_mem>>)
      } else {
      }
      %add3A_72 = arith.constant 1 : i32
      %add3A_73 = arith.addi %mul3A_21, %add3A_72 : i32
      %dma_wait3A_74 = arith.constant 0 : i32
      %dma_wait3A_75 = tpu.memref_slice %arg10[%add3A_73, %dma_wait3A_74] : memref<26x128xi32, #tpu.memory_space<vmem>> -> memref<1x128xi32, #tpu.memory_space<vmem>>
      %dma_wait3A_76 = tpu.memref_squeeze %dma_wait3A_75 : memref<1x128xi32, #tpu.memory_space<vmem>> -> memref<128xi32, #tpu.memory_space<vmem>>
      %dma_wait3A_77 = arith.constant 0 : i32
      %dma_wait3A_78 = arith.constant 0 : i32
      %dma_wait3A_79 = tpu.memref_slice %arg2[%dma_wait3A_77, %dma_wait3A_78] : memref<325632x128xf32, #tpu.memory_space<hbm>> -> memref<325632x128xf32, #tpu.memory_space<hbm>>
      tpu.wait_indirect_dma semaphore(%arg21 : memref<!tpu.dma_semaphore, #tpu.memory_space<semaphore_mem>>) src(%dma_wait3A_79 : memref<325632x128xf32, #tpu.memory_space<hbm>>) dst(%arg15 : memref<128x128xf32, #tpu.memory_space<vmem>>)
      %add3A_80 = arith.constant 1 : i32
      %add3A_81 = arith.addi %mul3A_21, %add3A_80 : i32
      %scan3A_82 = arith.constant 0 : i32
      %scan3A_83 = arith.constant 0 : i32
      %scan3A_84 = arith.constant 8 : i32
      %scan3A_85 = arith.addi %scan3A_83, %scan3A_84 : i32
      %scan3A_86 = arith.constant 1 : i32
      scf.for %scan3A_104 = %scan3A_83 to %scan3A_85 step %scan3A_86  : i32 {
        %mul3A_105 = arith.constant 16 : i32
        %mul3A_106 = arith.muli %scan3A_104, %mul3A_105 : i32
        %add3A_107 = vector.broadcast %mul3A_106 : i32 to vector<16xi32>
        %add3A_108 = arith.addi %iota3A, %add3A_107 : vector<16xi32>
        %mul3A_109 = arith.constant 16 : i32
        %mul3A_110 = arith.muli %scan3A_104, %mul3A_109 : i32
        %get3A = arith.index_cast %add3A_81 : i32 to index
        %get3A_111 = arith.index_cast %mul3A_110 : i32 to index
        %get3A_112 = tpu.vector_load %arg11[%get3A, %get3A_111] {strides = array<i32>} : memref<26x128xi32, #tpu.memory_space<vmem>>, vector<16xi32>,
        %mul3A_113 = arith.constant 16 : i32
        %mul3A_114 = vector.broadcast %mul3A_113 : i32 to vector<16xi32>
        %mul3A_115 = arith.muli %get3A_112, %mul3A_114 : vector<16xi32>
        %add3A_116 = arith.constant 0 : i32
        %add3A_117 = vector.broadcast %add3A_116 : i32 to vector<16xi32>
        %add3A_118 = arith.addi %mul3A_115, %add3A_117 : vector<16xi32>
        %gather3A = tpu.vector_load_idx %arg15[%add3A_108, %add3A_118] : memref<128x128xf32, #tpu.memory_space<vmem>>[vector<16xi32>, vector<16xi32>], vector<16xf32>,
        %broadcast_in_dim3A = arith.constant 0 : i32
        %broadcast_in_dim3A_119 = vector.broadcast %broadcast_in_dim3A : i32 to vector<16xi32>
        tpu.vector_store_idx %arg18[%add3A_108, %broadcast_in_dim3A_119], %gather3A : memref<128x16xf32, #tpu.memory_space<vmem>>[vector<16xi32>, vector<16xi32>], vector<16xf32>,
        %add3A_120 = arith.constant 1 : i32
        %add3A_121 = vector.broadcast %add3A_120 : i32 to vector<16xi32>
        %add3A_122 = arith.addi %mul3A_115, %add3A_121 : vector<16xi32>
        %gather3A_123 = tpu.vector_load_idx %arg15[%add3A_108, %add3A_122] : memref<128x128xf32, #tpu.memory_space<vmem>>[vector<16xi32>, vector<16xi32>], vector<16xf32>,
        %broadcast_in_dim3A_124 = arith.constant 1 : i32
        %broadcast_in_dim3A_125 = vector.broadcast %broadcast_in_dim3A_124 : i32 to vector<16xi32>
        tpu.vector_store_idx %arg18[%add3A_108, %broadcast_in_dim3A_125], %gather3A_123 : memref<128x16xf32, #tpu.memory_space<vmem>>[vector<16xi32>, vector<16xi32>], vector<16xf32>,
        %add3A_126 = arith.constant 2 : i32
        %add3A_127 = vector.broadcast %add3A_126 : i32 to vector<16xi32>
        %add3A_128 = arith.addi %mul3A_115, %add3A_127 : vector<16xi32>
        %gather3A_129 = tpu.vector_load_idx %arg15[%add3A_108, %add3A_128] : memref<128x128xf32, #tpu.memory_space<vmem>>[vector<16xi32>, vector<16xi32>], vector<16xf32>,
        %broadcast_in_dim3A_130 = arith.constant 2 : i32
        %broadcast_in_dim3A_131 = vector.broadcast %broadcast_in_dim3A_130 : i32 to vector<16xi32>
        tpu.vector_store_idx %arg18[%add3A_108, %broadcast_in_dim3A_131], %gather3A_129 : memref<128x16xf32, #tpu.memory_space<vmem>>[vector<16xi32>, vector<16xi32>], vector<16xf32>,
        %add3A_132 = arith.constant 3 : i32
        %add3A_133 = vector.broadcast %add3A_132 : i32 to vector<16xi32>
        %add3A_134 = arith.addi %mul3A_115, %add3A_133 : vector<16xi32>
        %gather3A_135 = tpu.vector_load_idx %arg15[%add3A_108, %add3A_134] : memref<128x128xf32, #tpu.memory_space<vmem>>[vector<16xi32>, vector<16xi32>], vector<16xf32>,
        %broadcast_in_dim3A_136 = arith.constant 3 : i32
        %broadcast_in_dim3A_137 = vector.broadcast %broadcast_in_dim3A_136 : i32 to vector<16xi32>
        tpu.vector_store_idx %arg18[%add3A_108, %broadcast_in_dim3A_137], %gather3A_135 : memref<128x16xf32, #tpu.memory_space<vmem>>[vector<16xi32>, vector<16xi32>], vector<16xf32>,
        %add3A_138 = arith.constant 4 : i32
        %add3A_139 = vector.broadcast %add3A_138 : i32 to vector<16xi32>
        %add3A_140 = arith.addi %mul3A_115, %add3A_139 : vector<16xi32>
        %gather3A_141 = tpu.vector_load_idx %arg15[%add3A_108, %add3A_140] : memref<128x128xf32, #tpu.memory_space<vmem>>[vector<16xi32>, vector<16xi32>], vector<16xf32>,
        %broadcast_in_dim3A_142 = arith.constant 4 : i32
        %broadcast_in_dim3A_143 = vector.broadcast %broadcast_in_dim3A_142 : i32 to vector<16xi32>
        tpu.vector_store_idx %arg18[%add3A_108, %broadcast_in_dim3A_143], %gather3A_141 : memref<128x16xf32, #tpu.memory_space<vmem>>[vector<16xi32>, vector<16xi32>], vector<16xf32>,
        %add3A_144 = arith.constant 5 : i32
        %add3A_145 = vector.broadcast %add3A_144 : i32 to vector<16xi32>
        %add3A_146 = arith.addi %mul3A_115, %add3A_145 : vector<16xi32>
        %gather3A_147 = tpu.vector_load_idx %arg15[%add3A_108, %add3A_146] : memref<128x128xf32, #tpu.memory_space<vmem>>[vector<16xi32>, vector<16xi32>], vector<16xf32>,
        %broadcast_in_dim3A_148 = arith.constant 5 : i32
        %broadcast_in_dim3A_149 = vector.broadcast %broadcast_in_dim3A_148 : i32 to vector<16xi32>
        tpu.vector_store_idx %arg18[%add3A_108, %broadcast_in_dim3A_149], %gather3A_147 : memref<128x16xf32, #tpu.memory_space<vmem>>[vector<16xi32>, vector<16xi32>], vector<16xf32>,
        %add3A_150 = arith.constant 6 : i32
        %add3A_151 = vector.broadcast %add3A_150 : i32 to vector<16xi32>
        %add3A_152 = arith.addi %mul3A_115, %add3A_151 : vector<16xi32>
        %gather3A_153 = tpu.vector_load_idx %arg15[%add3A_108, %add3A_152] : memref<128x128xf32, #tpu.memory_space<vmem>>[vector<16xi32>, vector<16xi32>], vector<16xf32>,
        %broadcast_in_dim3A_154 = arith.constant 6 : i32
        %broadcast_in_dim3A_155 = vector.broadcast %broadcast_in_dim3A_154 : i32 to vector<16xi32>
        tpu.vector_store_idx %arg18[%add3A_108, %broadcast_in_dim3A_155], %gather3A_153 : memref<128x16xf32, #tpu.memory_space<vmem>>[vector<16xi32>, vector<16xi32>], vector<16xf32>,
        %add3A_156 = arith.constant 7 : i32
        %add3A_157 = vector.broadcast %add3A_156 : i32 to vector<16xi32>
        %add3A_158 = arith.addi %mul3A_115, %add3A_157 : vector<16xi32>
        %gather3A_159 = tpu.vector_load_idx %arg15[%add3A_108, %add3A_158] : memref<128x128xf32, #tpu.memory_space<vmem>>[vector<16xi32>, vector<16xi32>], vector<16xf32>,
        %broadcast_in_dim3A_160 = arith.constant 7 : i32
        %broadcast_in_dim3A_161 = vector.broadcast %broadcast_in_dim3A_160 : i32 to vector<16xi32>
        tpu.vector_store_idx %arg18[%add3A_108, %broadcast_in_dim3A_161], %gather3A_159 : memref<128x16xf32, #tpu.memory_space<vmem>>[vector<16xi32>, vector<16xi32>], vector<16xf32>,
        %add3A_162 = arith.constant 8 : i32
        %add3A_163 = vector.broadcast %add3A_162 : i32 to vector<16xi32>
        %add3A_164 = arith.addi %mul3A_115, %add3A_163 : vector<16xi32>
        %gather3A_165 = tpu.vector_load_idx %arg15[%add3A_108, %add3A_164] : memref<128x128xf32, #tpu.memory_space<vmem>>[vector<16xi32>, vector<16xi32>], vector<16xf32>,
        %broadcast_in_dim3A_166 = arith.constant 8 : i32
        %broadcast_in_dim3A_167 = vector.broadcast %broadcast_in_dim3A_166 : i32 to vector<16xi32>
        tpu.vector_store_idx %arg18[%add3A_108, %broadcast_in_dim3A_167], %gather3A_165 : memref<128x16xf32, #tpu.memory_space<vmem>>[vector<16xi32>, vector<16xi32>], vector<16xf32>,
        %add3A_168 = arith.constant 9 : i32
        %add3A_169 = vector.broadcast %add3A_168 : i32 to vector<16xi32>
        %add3A_170 = arith.addi %mul3A_115, %add3A_169 : vector<16xi32>
        %gather3A_171 = tpu.vector_load_idx %arg15[%add3A_108, %add3A_170] : memref<128x128xf32, #tpu.memory_space<vmem>>[vector<16xi32>, vector<16xi32>], vector<16xf32>,
        %broadcast_in_dim3A_172 = arith.constant 9 : i32
        %broadcast_in_dim3A_173 = vector.broadcast %broadcast_in_dim3A_172 : i32 to vector<16xi32>
        tpu.vector_store_idx %arg18[%add3A_108, %broadcast_in_dim3A_173], %gather3A_171 : memref<128x16xf32, #tpu.memory_space<vmem>>[vector<16xi32>, vector<16xi32>], vector<16xf32>,
        %add3A_174 = arith.constant 10 : i32
        %add3A_175 = vector.broadcast %add3A_174 : i32 to vector<16xi32>
        %add3A_176 = arith.addi %mul3A_115, %add3A_175 : vector<16xi32>
        %gather3A_177 = tpu.vector_load_idx %arg15[%add3A_108, %add3A_176] : memref<128x128xf32, #tpu.memory_space<vmem>>[vector<16xi32>, vector<16xi32>], vector<16xf32>,
        %broadcast_in_dim3A_178 = arith.constant 10 : i32
        %broadcast_in_dim3A_179 = vector.broadcast %broadcast_in_dim3A_178 : i32 to vector<16xi32>
        tpu.vector_store_idx %arg18[%add3A_108, %broadcast_in_dim3A_179], %gather3A_177 : memref<128x16xf32, #tpu.memory_space<vmem>>[vector<16xi32>, vector<16xi32>], vector<16xf32>,
        %add3A_180 = arith.constant 11 : i32
        %add3A_181 = vector.broadcast %add3A_180 : i32 to vector<16xi32>
        %add3A_182 = arith.addi %mul3A_115, %add3A_181 : vector<16xi32>
        %gather3A_183 = tpu.vector_load_idx %arg15[%add3A_108, %add3A_182] : memref<128x128xf32, #tpu.memory_space<vmem>>[vector<16xi32>, vector<16xi32>], vector<16xf32>,
        %broadcast_in_dim3A_184 = arith.constant 11 : i32
        %broadcast_in_dim3A_185 = vector.broadcast %broadcast_in_dim3A_184 : i32 to vector<16xi32>
        tpu.vector_store_idx %arg18[%add3A_108, %broadcast_in_dim3A_185], %gather3A_183 : memref<128x16xf32, #tpu.memory_space<vmem>>[vector<16xi32>, vector<16xi32>], vector<16xf32>,
        %add3A_186 = arith.constant 12 : i32
        %add3A_187 = vector.broadcast %add3A_186 : i32 to vector<16xi32>
        %add3A_188 = arith.addi %mul3A_115, %add3A_187 : vector<16xi32>
        %gather3A_189 = tpu.vector_load_idx %arg15[%add3A_108, %add3A_188] : memref<128x128xf32, #tpu.memory_space<vmem>>[vector<16xi32>, vector<16xi32>], vector<16xf32>,
        %broadcast_in_dim3A_190 = arith.constant 12 : i32
        %broadcast_in_dim3A_191 = vector.broadcast %broadcast_in_dim3A_190 : i32 to vector<16xi32>
        tpu.vector_store_idx %arg18[%add3A_108, %broadcast_in_dim3A_191], %gather3A_189 : memref<128x16xf32, #tpu.memory_space<vmem>>[vector<16xi32>, vector<16xi32>], vector<16xf32>,
        %add3A_192 = arith.constant 13 : i32
        %add3A_193 = vector.broadcast %add3A_192 : i32 to vector<16xi32>
        %add3A_194 = arith.addi %mul3A_115, %add3A_193 : vector<16xi32>
        %gather3A_195 = tpu.vector_load_idx %arg15[%add3A_108, %add3A_194] : memref<128x128xf32, #tpu.memory_space<vmem>>[vector<16xi32>, vector<16xi32>], vector<16xf32>,
        %broadcast_in_dim3A_196 = arith.constant 13 : i32
        %broadcast_in_dim3A_197 = vector.broadcast %broadcast_in_dim3A_196 : i32 to vector<16xi32>
        tpu.vector_store_idx %arg18[%add3A_108, %broadcast_in_dim3A_197], %gather3A_195 : memref<128x16xf32, #tpu.memory_space<vmem>>[vector<16xi32>, vector<16xi32>], vector<16xf32>,
        %add3A_198 = arith.constant 14 : i32
        %add3A_199 = vector.broadcast %add3A_198 : i32 to vector<16xi32>
        %add3A_200 = arith.addi %mul3A_115, %add3A_199 : vector<16xi32>
        %gather3A_201 = tpu.vector_load_idx %arg15[%add3A_108, %add3A_200] : memref<128x128xf32, #tpu.memory_space<vmem>>[vector<16xi32>, vector<16xi32>], vector<16xf32>,
        %broadcast_in_dim3A_202 = arith.constant 14 : i32
        %broadcast_in_dim3A_203 = vector.broadcast %broadcast_in_dim3A_202 : i32 to vector<16xi32>
        tpu.vector_store_idx %arg18[%add3A_108, %broadcast_in_dim3A_203], %gather3A_201 : memref<128x16xf32, #tpu.memory_space<vmem>>[vector<16xi32>, vector<16xi32>], vector<16xf32>,
        %add3A_204 = arith.constant 15 : i32
        %add3A_205 = vector.broadcast %add3A_204 : i32 to vector<16xi32>
        %add3A_206 = arith.addi %mul3A_115, %add3A_205 : vector<16xi32>
        %gather3A_207 = tpu.vector_load_idx %arg15[%add3A_108, %add3A_206] : memref<128x128xf32, #tpu.memory_space<vmem>>[vector<16xi32>, vector<16xi32>], vector<16xf32>,
        %broadcast_in_dim3A_208 = arith.constant 15 : i32
        %broadcast_in_dim3A_209 = vector.broadcast %broadcast_in_dim3A_208 : i32 to vector<16xi32>
        tpu.vector_store_idx %arg18[%add3A_108, %broadcast_in_dim3A_209], %gather3A_207 : memref<128x16xf32, #tpu.memory_space<vmem>>[vector<16xi32>, vector<16xi32>], vector<16xf32>,
      }
      %scan3A_87 = arith.constant 8 : i32
      "tpu.region"() ({
        %run_scoped3A = tpu.sem_alloc : memref<!tpu.dma_semaphore, #tpu.memory_space<semaphore_mem>>
        %dma_start3A_104 = arith.constant 0 : i32
        %dma_start3A_105 = arith.constant 0 : i32
        %dma_start3A_106 = tpu.memref_slice %arg8[%add3A, %add3A_81, %dma_start3A_104, %dma_start3A_105] : memref<32x26x128x16xf32, #tpu.memory_space<hbm>> -> memref<1x1x128x16xf32, #tpu.memory_space<hbm>>
        %dma_start3A_107 = tpu.memref_squeeze %dma_start3A_106 : memref<1x1x128x16xf32, #tpu.memory_space<hbm>> -> memref<128x16xf32, #tpu.memory_space<hbm>>
        %dma_start3A_108 = arith.constant 0 : i32
        %dma_start3A_109 = arith.constant 0 : i32
        %dma_start3A_110 = tpu.memref_slice %arg8[%add3A, %add3A_81, %dma_start3A_108, %dma_start3A_109] : memref<32x26x128x16xf32, #tpu.memory_space<hbm>> -> memref<1x1x128x16xf32, #tpu.memory_space<hbm>>
        %dma_start3A_111 = tpu.memref_squeeze %dma_start3A_110 : memref<1x1x128x16xf32, #tpu.memory_space<hbm>> -> memref<128x16xf32, #tpu.memory_space<hbm>>
        tpu.enqueue_dma source(%arg18 : memref<128x16xf32, #tpu.memory_space<vmem>>) target(%dma_start3A_111 : memref<128x16xf32, #tpu.memory_space<hbm>>) target_semaphore(%run_scoped3A : memref<!tpu.dma_semaphore, #tpu.memory_space<semaphore_mem>>)
        %dma_wait3A_112 = arith.constant 0 : i32
        %dma_wait3A_113 = arith.constant 0 : i32
        %dma_wait3A_114 = tpu.memref_slice %arg8[%add3A, %add3A_81, %dma_wait3A_112, %dma_wait3A_113] : memref<32x26x128x16xf32, #tpu.memory_space<hbm>> -> memref<1x1x128x16xf32, #tpu.memory_space<hbm>>
        %dma_wait3A_115 = tpu.memref_squeeze %dma_wait3A_114 : memref<1x1x128x16xf32, #tpu.memory_space<hbm>> -> memref<128x16xf32, #tpu.memory_space<hbm>>
        %dma_wait3A_116 = arith.constant 0 : i32
        %dma_wait3A_117 = arith.constant 0 : i32
        %dma_wait3A_118 = tpu.memref_slice %arg8[%add3A, %add3A_81, %dma_wait3A_116, %dma_wait3A_117] : memref<32x26x128x16xf32, #tpu.memory_space<hbm>> -> memref<1x1x128x16xf32, #tpu.memory_space<hbm>>
        %dma_wait3A_119 = tpu.memref_squeeze %dma_wait3A_118 : memref<1x1x128x16xf32, #tpu.memory_space<hbm>> -> memref<128x16xf32, #tpu.memory_space<hbm>>
        tpu.wait_dma2 semaphore(%run_scoped3A : memref<!tpu.dma_semaphore, #tpu.memory_space<semaphore_mem>>) src(%arg18 : memref<128x16xf32, #tpu.memory_space<vmem>>) dst(%dma_wait3A_119 : memref<128x16xf32, #tpu.memory_space<hbm>>)
        tpu.yield
      }) : () -> ()
      %add3A_88 = arith.constant 1 : i32
      %add3A_89 = arith.addi %mul3A_21, %add3A_88 : i32
      %dma_wait3A_90 = arith.constant 0 : i32
      %dma_wait3A_91 = tpu.memref_slice %arg12[%add3A_89, %dma_wait3A_90] : memref<26x128xi32, #tpu.memory_space<vmem>> -> memref<1x128xi32, #tpu.memory_space<vmem>>
      %dma_wait3A_92 = tpu.memref_squeeze %dma_wait3A_91 : memref<1x128xi32, #tpu.memory_space<vmem>> -> memref<128xi32, #tpu.memory_space<vmem>>
      %dma_wait3A_93 = arith.constant 0 : i32
      %dma_wait3A_94 = arith.constant 0 : i32
      %dma_wait3A_95 = tpu.memref_slice %arg3[%dma_wait3A_93, %dma_wait3A_94] : memref<20313x128xf32, #tpu.memory_space<hbm>> -> memref<20313x128xf32, #tpu.memory_space<hbm>>
      tpu.wait_indirect_dma semaphore(%arg23 : memref<!tpu.dma_semaphore, #tpu.memory_space<semaphore_mem>>) src(%dma_wait3A_95 : memref<20313x128xf32, #tpu.memory_space<hbm>>) dst(%arg17 : memref<128x128xf32, #tpu.memory_space<vmem>>)
      %add3A_96 = arith.constant 1 : i32
      %add3A_97 = arith.addi %mul3A_21, %add3A_96 : i32
      %scan3A_98 = arith.constant 0 : i32
      %scan3A_99 = arith.constant 0 : i32
      %scan3A_100 = arith.constant 8 : i32
      %scan3A_101 = arith.addi %scan3A_99, %scan3A_100 : i32
      %scan3A_102 = arith.constant 1 : i32
      scf.for %scan3A_104 = %scan3A_99 to %scan3A_101 step %scan3A_102  : i32 {
        %mul3A_105 = arith.constant 16 : i32
        %mul3A_106 = arith.muli %scan3A_104, %mul3A_105 : i32
        %add3A_107 = vector.broadcast %mul3A_106 : i32 to vector<16xi32>
        %add3A_108 = arith.addi %iota3A, %add3A_107 : vector<16xi32>
        %mul3A_109 = arith.constant 16 : i32
        %mul3A_110 = arith.muli %scan3A_104, %mul3A_109 : i32
        %get3A = arith.index_cast %add3A_97 : i32 to index
        %get3A_111 = arith.index_cast %mul3A_110 : i32 to index
        %get3A_112 = tpu.vector_load %arg13[%get3A, %get3A_111] {strides = array<i32>} : memref<26x128xi32, #tpu.memory_space<vmem>>, vector<16xi32>,
        %gather3A = tpu.vector_load_idx %arg17[%add3A_108, %get3A_112] : memref<128x128xf32, #tpu.memory_space<vmem>>[vector<16xi32>, vector<16xi32>], vector<16xf32>,
        %mul3A_113 = arith.constant 16 : i32
        %mul3A_114 = arith.muli %scan3A_104, %mul3A_113 : i32
        %swap3A = arith.index_cast %add3A_97 : i32 to index
        %swap3A_115 = arith.index_cast %mul3A_114 : i32 to index
        %swap3A_116 = tpu.vector_load %arg19[%swap3A, %swap3A_115] {strides = array<i32>} : memref<26x128xf32, #tpu.memory_space<vmem>>, vector<16xf32>,
        tpu.vector_store %arg19[%swap3A, %swap3A_115], %gather3A {strides = array<i32>} : memref<26x128xf32, #tpu.memory_space<vmem>>, vector<16xf32>,
      }
      %scan3A_103 = arith.constant 8 : i32
    }
    %scan3A_18 = arith.constant 13 : i32
    "tpu.region"() ({
      %run_scoped3A = tpu.sem_alloc : memref<!tpu.dma_semaphore, #tpu.memory_space<semaphore_mem>>
      %dma_start3A_19 = arith.constant 0 : i32
      %dma_start3A_20 = arith.constant 0 : i32
      %dma_start3A_21 = tpu.memref_slice %arg9[%add3A, %dma_start3A_19, %dma_start3A_20] : memref<32x26x128xf32, #tpu.memory_space<hbm>> -> memref<1x26x128xf32, #tpu.memory_space<hbm>>
      %dma_start3A_22 = tpu.memref_squeeze %dma_start3A_21 : memref<1x26x128xf32, #tpu.memory_space<hbm>> -> memref<26x128xf32, #tpu.memory_space<hbm>>
      %dma_start3A_23 = arith.constant 0 : i32
      %dma_start3A_24 = arith.constant 0 : i32
      %dma_start3A_25 = tpu.memref_slice %arg9[%add3A, %dma_start3A_23, %dma_start3A_24] : memref<32x26x128xf32, #tpu.memory_space<hbm>> -> memref<1x26x128xf32, #tpu.memory_space<hbm>>
      %dma_start3A_26 = tpu.memref_squeeze %dma_start3A_25 : memref<1x26x128xf32, #tpu.memory_space<hbm>> -> memref<26x128xf32, #tpu.memory_space<hbm>>
      tpu.enqueue_dma source(%arg19 : memref<26x128xf32, #tpu.memory_space<vmem>>) target(%dma_start3A_26 : memref<26x128xf32, #tpu.memory_space<hbm>>) target_semaphore(%run_scoped3A : memref<!tpu.dma_semaphore, #tpu.memory_space<semaphore_mem>>)
      %dma_wait3A = arith.constant 0 : i32
      %dma_wait3A_27 = arith.constant 0 : i32
      %dma_wait3A_28 = tpu.memref_slice %arg9[%add3A, %dma_wait3A, %dma_wait3A_27] : memref<32x26x128xf32, #tpu.memory_space<hbm>> -> memref<1x26x128xf32, #tpu.memory_space<hbm>>
      %dma_wait3A_29 = tpu.memref_squeeze %dma_wait3A_28 : memref<1x26x128xf32, #tpu.memory_space<hbm>> -> memref<26x128xf32, #tpu.memory_space<hbm>>
      %dma_wait3A_30 = arith.constant 0 : i32
      %dma_wait3A_31 = arith.constant 0 : i32
      %dma_wait3A_32 = tpu.memref_slice %arg9[%add3A, %dma_wait3A_30, %dma_wait3A_31] : memref<32x26x128xf32, #tpu.memory_space<hbm>> -> memref<1x26x128xf32, #tpu.memory_space<hbm>>
      %dma_wait3A_33 = tpu.memref_squeeze %dma_wait3A_32 : memref<1x26x128xf32, #tpu.memory_space<hbm>> -> memref<26x128xf32, #tpu.memory_space<hbm>>
      tpu.wait_dma2 semaphore(%run_scoped3A : memref<!tpu.dma_semaphore, #tpu.memory_space<semaphore_mem>>) src(%arg19 : memref<26x128xf32, #tpu.memory_space<vmem>>) dst(%dma_wait3A_33 : memref<26x128xf32, #tpu.memory_space<hbm>>)
      tpu.yield
    }) : () -> ()
    return
  }
}

module attributes {stable_mosaic.version = 14 : i64} {
  func.func @_repack_body(%arg0: i32, %arg1: memref<16x16384xf32, #tpu.memory_space<vmem>>, %arg2: memref<2048x128xf32, #tpu.memory_space<vmem>>) attributes {dimension_semantics = [#tpu.dimension_semantics<arbitrary>], iteration_bounds = array<i64: 159>, scalar_prefetch = 0 : i64, scratch_operands = 0 : i64, tpu.core_type = #tpu.core_type<tc>, window_params = [{transform_indices = @transform_0, window_bounds = array<i64: 16, 16384>}, {transform_indices = @transform_1, window_bounds = array<i64: 2048, 128>}]} {
    %get3A = arith.constant 0 : index
    %get3A_0 = arith.constant 0 : index
    %get3A_1 = vector.load %arg1[%get3A, %get3A_0] : memref<16x16384xf32, #tpu.memory_space<vmem>>, vector<16x16384xf32>
    %transpose3A = tpu.transpose %get3A_1, [1, 0] : vector<16x16384xf32> -> vector<16384x16xf32>
    %slice3A = vector.extract_strided_slice %transpose3A {offsets = [0, 0], sizes = [2048, 16], strides = [1, 1]} : vector<16384x16xf32> to vector<2048x16xf32>
    %slice3A_2 = vector.extract_strided_slice %transpose3A {offsets = [2048, 0], sizes = [2048, 16], strides = [1, 1]} : vector<16384x16xf32> to vector<2048x16xf32>
    %slice3A_3 = vector.extract_strided_slice %transpose3A {offsets = [4096, 0], sizes = [2048, 16], strides = [1, 1]} : vector<16384x16xf32> to vector<2048x16xf32>
    %slice3A_4 = vector.extract_strided_slice %transpose3A {offsets = [6144, 0], sizes = [2048, 16], strides = [1, 1]} : vector<16384x16xf32> to vector<2048x16xf32>
    %slice3A_5 = vector.extract_strided_slice %transpose3A {offsets = [8192, 0], sizes = [2048, 16], strides = [1, 1]} : vector<16384x16xf32> to vector<2048x16xf32>
    %slice3A_6 = vector.extract_strided_slice %transpose3A {offsets = [10240, 0], sizes = [2048, 16], strides = [1, 1]} : vector<16384x16xf32> to vector<2048x16xf32>
    %slice3A_7 = vector.extract_strided_slice %transpose3A {offsets = [12288, 0], sizes = [2048, 16], strides = [1, 1]} : vector<16384x16xf32> to vector<2048x16xf32>
    %slice3A_8 = vector.extract_strided_slice %transpose3A {offsets = [14336, 0], sizes = [2048, 16], strides = [1, 1]} : vector<16384x16xf32> to vector<2048x16xf32>
    %concatenate3A = tpu.concatenate %slice3A, %slice3A_2, %slice3A_3, %slice3A_4, %slice3A_5, %slice3A_6, %slice3A_7, %slice3A_8 in 1 : vector<2048x16xf32>, vector<2048x16xf32>, vector<2048x16xf32>, vector<2048x16xf32>, vector<2048x16xf32>, vector<2048x16xf32>, vector<2048x16xf32>, vector<2048x16xf32> -> vector<2048x128xf32>
    %swap3A = arith.constant 0 : index
    %swap3A_9 = arith.constant 0 : index
    %swap3A_10 = vector.load %arg2[%swap3A, %swap3A_9] : memref<2048x128xf32, #tpu.memory_space<vmem>>, vector<2048x128xf32>
    tpu.vector_store %arg2[%swap3A, %swap3A_9], %concatenate3A {strides = array<i32>} : memref<2048x128xf32, #tpu.memory_space<vmem>>, vector<2048x128xf32>,
    return
  }
  func.func @transform_0(%arg0: i32) -> (i32, i32) {
    %c0_i32 = arith.constant 0 : i32
    %c0_i32_0 = arith.constant 0 : i32
    return %c0_i32, %arg0 : i32, i32
  }
  func.func @transform_1(%arg0: i32) -> (i32, i32) {
    %c0_i32 = arith.constant 0 : i32
    %c0_i32_0 = arith.constant 0 : i32
    return %arg0, %c0_i32 : i32, i32
  }
}

module attributes {stable_mosaic.version = 14 : i64} {
  func.func @_afm_body(%arg0: i32, %arg1: memref<128x512xf32, #tpu.memory_space<vmem>>, %arg2: memref<3328x16xf32, #tpu.memory_space<vmem>>, %arg3: memref<128x26xf32, #tpu.memory_space<vmem>>, %arg4: memref<16x512xbf16, #tpu.memory_space<vmem>>, %arg5: memref<512x512xbf16, #tpu.memory_space<vmem>>, %arg6: memref<1x512xf32, #tpu.memory_space<vmem>>, %arg7: memref<512x32xbf16, #tpu.memory_space<vmem>>, %arg8: memref<32x512xbf16, #tpu.memory_space<vmem>>, %arg9: memref<512x1xf32, #tpu.memory_space<vmem>>, %arg10: memref<1x2xf32, #tpu.memory_space<vmem>>, %arg11: memref<128x1xf32, #tpu.memory_space<vmem>>) attributes {dimension_semantics = [#tpu.dimension_semantics<arbitrary>], iteration_bounds = array<i64: 32>, scalar_prefetch = 0 : i64, scratch_operands = 0 : i64, tpu.core_type = #tpu.core_type<tc>, window_params = [{transform_indices = @transform_0, window_bounds = array<i64: 128, 512>}, {transform_indices = @transform_1, window_bounds = array<i64: 3328, 16>}, {transform_indices = @transform_2, window_bounds = array<i64: 128, 26>}, {pipeline_mode = #tpu.pipeline_mode<synchronous>, transform_indices = @transform_3, window_bounds = array<i64: 16, 512>}, {pipeline_mode = #tpu.pipeline_mode<synchronous>, transform_indices = @transform_4, window_bounds = array<i64: 512, 512>}, {pipeline_mode = #tpu.pipeline_mode<synchronous>, transform_indices = @transform_5, window_bounds = array<i64: 1, 512>}, {pipeline_mode = #tpu.pipeline_mode<synchronous>, transform_indices = @transform_6, window_bounds = array<i64: 512, 32>}, {pipeline_mode = #tpu.pipeline_mode<synchronous>, transform_indices = @transform_7, window_bounds = array<i64: 32, 512>}, {pipeline_mode = #tpu.pipeline_mode<synchronous>, transform_indices = @transform_8, window_bounds = array<i64: 512, 1>}, {pipeline_mode = #tpu.pipeline_mode<synchronous>, transform_indices = @transform_9, window_bounds = array<i64: 1, 2>}, {transform_indices = @transform_10, window_bounds = array<i64: 128, 1>}]} {
    %get3A = arith.constant 0 : index
    %get3A_0 = arith.constant 0 : index
    %get3A_1 = vector.load %arg1[%get3A, %get3A_0] : memref<128x512xf32, #tpu.memory_space<vmem>>, vector<128x512xf32>
    %convert_element_type3A = arith.truncf %get3A_1 : vector<128x512xf32> to vector<128x512xbf16>
    %get3A_2 = arith.constant 0 : index
    %get3A_3 = arith.constant 0 : index
    %get3A_4 = vector.load %arg2[%get3A_2, %get3A_3] : memref<3328x16xf32, #tpu.memory_space<vmem>>, vector<3328x16xf32>
    %convert_element_type3A_5 = arith.truncf %get3A_4 : vector<3328x16xf32> to vector<3328x16xbf16>
    %get3A_6 = arith.constant 0 : index
    %get3A_7 = arith.constant 0 : index
    %get3A_8 = vector.load %arg4[%get3A_6, %get3A_7] : memref<16x512xbf16, #tpu.memory_space<vmem>>, vector<16x512xbf16>
    %dot_general3A = arith.constant dense<0.000000e+00> : vector<3328x512xf32>
    %dot_general3A_9 = tpu.matmul %convert_element_type3A_5, %get3A_8, %dot_general3A {dimension_numbers = #tpu.dot_dimension_numbers<[1], [0], [0], [1], [0, 0, 1, 1], [], []>, transpose_lhs_hint = false} : vector<3328x16xbf16>, vector<16x512xbf16>, vector<3328x512xf32> -> vector<3328x512xf32>
    %convert_element_type3A_10 = arith.truncf %dot_general3A_9 : vector<3328x512xf32> to vector<3328x512xbf16>
    %reshape3A = vector.shape_cast %convert_element_type3A_10 : vector<3328x512xbf16> to vector<128x26x512xbf16>
    %broadcast_in_dim3A = vector.shape_cast %convert_element_type3A : vector<128x512xbf16> to vector<128x1x512xbf16>
    %mul3A = vector.broadcast %broadcast_in_dim3A : vector<128x1x512xbf16> to vector<128x26x512xbf16>
    %mul3A_11 = arith.mulf %reshape3A, %mul3A : vector<128x26x512xbf16>
    %reshape3A_12 = vector.shape_cast %mul3A_11 : vector<128x26x512xbf16> to vector<3328x512xbf16>
    %get3A_13 = arith.constant 0 : index
    %get3A_14 = arith.constant 0 : index
    %get3A_15 = vector.load %arg5[%get3A_13, %get3A_14] : memref<512x512xbf16, #tpu.memory_space<vmem>>, vector<512x512xbf16>
    %dot_general3A_16 = arith.constant dense<0.000000e+00> : vector<3328x512xf32>
    %dot_general3A_17 = tpu.matmul %reshape3A_12, %get3A_15, %dot_general3A_16 {dimension_numbers = #tpu.dot_dimension_numbers<[1], [0], [0], [1], [0, 0, 1, 1], [], []>, transpose_lhs_hint = false} : vector<3328x512xbf16>, vector<512x512xbf16>, vector<3328x512xf32> -> vector<3328x512xf32>
    %get3A_18 = arith.constant 0 : index
    %get3A_19 = arith.constant 0 : index
    %get3A_20 = vector.load %arg6[%get3A_18, %get3A_19] : memref<1x512xf32, #tpu.memory_space<vmem>>, vector<1x512xf32>
    %add3A = vector.broadcast %get3A_20 : vector<1x512xf32> to vector<3328x512xf32>
    %add3A_21 = arith.addf %dot_general3A_17, %add3A : vector<3328x512xf32>
    %max3A = arith.constant 0.000000e+00 : f32
    %max3A_22 = vector.broadcast %max3A : f32 to vector<3328x512xf32>
    %max3A_23 = arith.maximumf %add3A_21, %max3A_22 : vector<3328x512xf32>
    %convert_element_type3A_24 = arith.truncf %max3A_23 : vector<3328x512xf32> to vector<3328x512xbf16>
    %get3A_25 = arith.constant 0 : index
    %get3A_26 = arith.constant 0 : index
    %get3A_27 = vector.load %arg7[%get3A_25, %get3A_26] : memref<512x32xbf16, #tpu.memory_space<vmem>>, vector<512x32xbf16>
    %dot_general3A_28 = arith.constant dense<0.000000e+00> : vector<3328x32xf32>
    %dot_general3A_29 = tpu.matmul %convert_element_type3A_24, %get3A_27, %dot_general3A_28 {dimension_numbers = #tpu.dot_dimension_numbers<[1], [0], [0], [1], [0, 0, 1, 1], [], []>, transpose_lhs_hint = false} : vector<3328x512xbf16>, vector<512x32xbf16>, vector<3328x32xf32> -> vector<3328x32xf32>
    %get3A_30 = arith.constant 0 : index
    %get3A_31 = arith.constant 0 : index
    %get3A_32 = vector.load %arg10[%get3A_30, %get3A_31] : memref<1x2xf32, #tpu.memory_space<vmem>>, vector<1x1xf32>
    %get3A_33 = vector.extract %get3A_32[0, 0] : f32 from vector<1x1xf32>
    %add3A_34 = vector.broadcast %get3A_33 : f32 to vector<3328x32xf32>
    %add3A_35 = arith.addf %dot_general3A_29, %add3A_34 : vector<3328x32xf32>
    %reshape3A_36 = vector.shape_cast %add3A_35 : vector<3328x32xf32> to vector<128x26x32xf32>
    %iota3A = tpu.iota {dimensions = array<i32: 0>} : vector<26x32xi32>
    %iota3A_37 = tpu.iota {dimensions = array<i32: 1>} : vector<26x32xi32>
    %gt3A = arith.cmpi sgt, %iota3A_37, %iota3A : vector<26x32xi32>
    %lt3A = arith.constant 26 : i32
    %lt3A_38 = vector.broadcast %lt3A : i32 to vector<26x32xi32>
    %lt3A_39 = arith.cmpi slt, %iota3A_37, %lt3A_38 : vector<26x32xi32>
    %and3A = arith.andi %gt3A, %lt3A_39 : vector<26x32xi1>
    %broadcast_in_dim3A_40 = vector.shape_cast %and3A : vector<26x32xi1> to vector<1x26x32xi1>
    %jit3A = arith.constant -1.000000e+30 : f32
    %broadcast_in_dim3A_41 = vector.shape_cast %broadcast_in_dim3A_40 : vector<1x26x32xi1> to vector<1x26x32xi1>
    %broadcast_in_dim3A_42 = vector.broadcast %broadcast_in_dim3A_41 : vector<1x26x32xi1> to vector<128x26x32xi1>
    %broadcast_in_dim3A_43 = vector.broadcast %jit3A : f32 to vector<128x26x32xf32>
    %select_n3A = arith.select %broadcast_in_dim3A_42, %reshape3A_36, %broadcast_in_dim3A_43 : vector<128x26x32xi1>, vector<128x26x32xf32>
    %reduce_max3A = arith.constant dense<0xFF800000> : vector<128x26xf32>
    %reduce_max3A_44 = vector.multi_reduction <maximumf>, %select_n3A, %reduce_max3A [2] : vector<128x26x32xf32> to vector<128x26xf32>
    %reduce_max3A_45 = arith.constant dense<0xFF800000> : vector<128xf32>
    %reduce_max3A_46 = vector.multi_reduction <maximumf>, %reduce_max3A_44, %reduce_max3A_45 [1] : vector<128x26xf32> to vector<128xf32>
    %broadcast_in_dim3A_47 = vector.shape_cast %reduce_max3A_46 : vector<128xf32> to vector<128x1x1xf32>
    %sub3A = vector.broadcast %broadcast_in_dim3A_47 : vector<128x1x1xf32> to vector<128x26x32xf32>
    %sub3A_48 = arith.subf %select_n3A, %sub3A : vector<128x26x32xf32>
    %exp3A = math.exp %sub3A_48 : vector<128x26x32xf32>
    %jit3A_49 = arith.constant 0.000000e+00 : f32
    %broadcast_in_dim3A_50 = vector.shape_cast %broadcast_in_dim3A_40 : vector<1x26x32xi1> to vector<1x26x32xi1>
    %broadcast_in_dim3A_51 = vector.broadcast %broadcast_in_dim3A_50 : vector<1x26x32xi1> to vector<128x26x32xi1>
    %broadcast_in_dim3A_52 = vector.broadcast %jit3A_49 : f32 to vector<128x26x32xf32>
    %select_n3A_53 = arith.select %broadcast_in_dim3A_51, %exp3A, %broadcast_in_dim3A_52 : vector<128x26x32xi1>, vector<128x26x32xf32>
    %reduce_sum3A = arith.constant dense<0.000000e+00> : vector<128x26xf32>
    %reduce_sum3A_54 = vector.multi_reduction <add>, %select_n3A_53, %reduce_sum3A [2] : vector<128x26x32xf32> to vector<128x26xf32>
    %reduce_sum3A_55 = arith.constant dense<0.000000e+00> : vector<128xf32>
    %reduce_sum3A_56 = vector.multi_reduction <add>, %reduce_sum3A_54, %reduce_sum3A_55 [1] : vector<128x26xf32> to vector<128xf32>
    %broadcast_in_dim3A_57 = vector.shape_cast %reduce_sum3A_56 : vector<128xf32> to vector<128x1x1xf32>
    %div3A = vector.broadcast %broadcast_in_dim3A_57 : vector<128x1x1xf32> to vector<128x26x32xf32>
    %div3A_58 = arith.divf %select_n3A_53, %div3A : vector<128x26x32xf32>
    %reshape3A_59 = vector.shape_cast %div3A_58 : vector<128x26x32xf32> to vector<3328x32xf32>
    %convert_element_type3A_60 = arith.truncf %reshape3A_59 : vector<3328x32xf32> to vector<3328x32xbf16>
    %get3A_61 = arith.constant 0 : index
    %get3A_62 = arith.constant 0 : index
    %get3A_63 = vector.load %arg8[%get3A_61, %get3A_62] : memref<32x512xbf16, #tpu.memory_space<vmem>>, vector<32x512xbf16>
    %dot_general3A_64 = arith.constant dense<0.000000e+00> : vector<3328x512xf32>
    %dot_general3A_65 = tpu.matmul %convert_element_type3A_60, %get3A_63, %dot_general3A_64 {dimension_numbers = #tpu.dot_dimension_numbers<[1], [0], [0], [1], [0, 0, 1, 1], [], []>, transpose_lhs_hint = false} : vector<3328x32xbf16>, vector<32x512xbf16>, vector<3328x512xf32> -> vector<3328x512xf32>
    %convert_element_type3A_66 = arith.truncf %dot_general3A_65 : vector<3328x512xf32> to vector<3328x512xbf16>
    %mul3A_67 = arith.mulf %convert_element_type3A_66, %reshape3A_12 : vector<3328x512xbf16>
    %convert_element_type3A_68 = arith.extf %mul3A_67 : vector<3328x512xbf16> to vector<3328x512xf32>
    %reshape3A_69 = vector.shape_cast %convert_element_type3A_68 : vector<3328x512xf32> to vector<128x26x512xf32>
    %reduce_sum3A_70 = arith.constant dense<0.000000e+00> : vector<128x512xf32>
    %reduce_sum3A_71 = vector.multi_reduction <add>, %reshape3A_69, %reduce_sum3A_70 [1] : vector<128x26x512xf32> to vector<128x512xf32>
    %convert_element_type3A_72 = arith.truncf %reduce_sum3A_71 : vector<128x512xf32> to vector<128x512xbf16>
    %get3A_73 = arith.constant 0 : index
    %get3A_74 = arith.constant 0 : index
    %get3A_75 = vector.load %arg9[%get3A_73, %get3A_74] : memref<512x1xf32, #tpu.memory_space<vmem>>, vector<512x1xf32>
    %convert_element_type3A_76 = arith.truncf %get3A_75 : vector<512x1xf32> to vector<512x1xbf16>
    %dot_general3A_77 = arith.constant dense<0.000000e+00> : vector<128x1xf32>
    %dot_general3A_78 = tpu.matmul %convert_element_type3A_72, %convert_element_type3A_76, %dot_general3A_77 {dimension_numbers = #tpu.dot_dimension_numbers<[1], [0], [0], [1], [0, 0, 1, 1], [], []>, transpose_lhs_hint = false} : vector<128x512xbf16>, vector<512x1xbf16>, vector<128x1xf32> -> vector<128x1xf32>
    %get3A_79 = arith.constant 0 : index
    %get3A_80 = arith.constant 0 : index
    %get3A_81 = vector.load %arg3[%get3A_79, %get3A_80] : memref<128x26xf32, #tpu.memory_space<vmem>>, vector<128x26xf32>
    %reduce_sum3A_82 = arith.constant dense<0.000000e+00> : vector<128xf32>
    %reduce_sum3A_83 = vector.multi_reduction <add>, %get3A_81, %reduce_sum3A_82 [1] : vector<128x26xf32> to vector<128xf32>
    %broadcast_in_dim3A_84 = vector.shape_cast %reduce_sum3A_83 : vector<128xf32> to vector<128x1xf32>
    %add3A_85 = arith.addf %broadcast_in_dim3A_84, %dot_general3A_78 : vector<128x1xf32>
    %get3A_86 = arith.constant 0 : index
    %get3A_87 = arith.constant 1 : index
    %get3A_88 = vector.load %arg10[%get3A_86, %get3A_87] : memref<1x2xf32, #tpu.memory_space<vmem>>, vector<1x1xf32>
    %get3A_89 = vector.extract %get3A_88[0, 0] : f32 from vector<1x1xf32>
    %add3A_90 = vector.broadcast %get3A_89 : f32 to vector<128x1xf32>
    %add3A_91 = arith.addf %add3A_85, %add3A_90 : vector<128x1xf32>
    %swap3A = arith.constant 0 : index
    %swap3A_92 = arith.constant 0 : index
    %swap3A_93 = vector.load %arg11[%swap3A, %swap3A_92] : memref<128x1xf32, #tpu.memory_space<vmem>>, vector<128x1xf32>
    tpu.vector_store %arg11[%swap3A, %swap3A_92], %add3A_91 {strides = array<i32>} : memref<128x1xf32, #tpu.memory_space<vmem>>, vector<128x1xf32>,
    return
  }
  func.func @transform_0(%arg0: i32) -> (i32, i32) {
    %c0_i32 = arith.constant 0 : i32
    %c0_i32_0 = arith.constant 0 : i32
    return %arg0, %c0_i32 : i32, i32
  }
  func.func @transform_1(%arg0: i32) -> (i32, i32) {
    %c0_i32 = arith.constant 0 : i32
    %c0_i32_0 = arith.constant 0 : i32
    return %arg0, %c0_i32 : i32, i32
  }
  func.func @transform_2(%arg0: i32) -> (i32, i32) {
    %c0_i32 = arith.constant 0 : i32
    %c0_i32_0 = arith.constant 0 : i32
    return %arg0, %c0_i32 : i32, i32
  }
  func.func @transform_3(%arg0: i32) -> (i32, i32) {
    %c0_i32 = arith.constant 0 : i32
    %c0_i32_0 = arith.constant 0 : i32
    %c0_i32_1 = arith.constant 0 : i32
    return %c0_i32, %c0_i32_0 : i32, i32
  }
  func.func @transform_4(%arg0: i32) -> (i32, i32) {
    %c0_i32 = arith.constant 0 : i32
    %c0_i32_0 = arith.constant 0 : i32
    %c0_i32_1 = arith.constant 0 : i32
    return %c0_i32, %c0_i32_0 : i32, i32
  }
  func.func @transform_5(%arg0: i32) -> (i32, i32) {
    %c0_i32 = arith.constant 0 : i32
    %c0_i32_0 = arith.constant 0 : i32
    %c0_i32_1 = arith.constant 0 : i32
    return %c0_i32, %c0_i32_0 : i32, i32
  }
  func.func @transform_6(%arg0: i32) -> (i32, i32) {
    %c0_i32 = arith.constant 0 : i32
    %c0_i32_0 = arith.constant 0 : i32
    %c0_i32_1 = arith.constant 0 : i32
    return %c0_i32, %c0_i32_0 : i32, i32
  }
  func.func @transform_7(%arg0: i32) -> (i32, i32) {
    %c0_i32 = arith.constant 0 : i32
    %c0_i32_0 = arith.constant 0 : i32
    %c0_i32_1 = arith.constant 0 : i32
    return %c0_i32, %c0_i32_0 : i32, i32
  }
  func.func @transform_8(%arg0: i32) -> (i32, i32) {
    %c0_i32 = arith.constant 0 : i32
    %c0_i32_0 = arith.constant 0 : i32
    %c0_i32_1 = arith.constant 0 : i32
    return %c0_i32, %c0_i32_0 : i32, i32
  }
  func.func @transform_9(%arg0: i32) -> (i32, i32) {
    %c0_i32 = arith.constant 0 : i32
    %c0_i32_0 = arith.constant 0 : i32
    %c0_i32_1 = arith.constant 0 : i32
    return %c0_i32, %c0_i32_0 : i32, i32
  }
  func.func @transform_10(%arg0: i32) -> (i32, i32) {
    %c0_i32 = arith.constant 0 : i32
    %c0_i32_0 = arith.constant 0 : i32
    return %arg0, %c0_i32 : i32, i32
  }
}

</mosaic_0001>

<sc_bundles>
// kernel: kernel.5.cloned.1.call-start
scs
__scs_entry_jumppad:
0x0: {  	(pc) =	sbr.rel $0x88, $3  }
0x1: {  	(tag) =	ssettag $0x0;
	lr =	simm.s32 $0x1  }
0x2: {  	[smem:$0x3F97] =	sst lr;
	_ =	strace $0xD0000000  }
0x3: {  	_ = 	snop  }
0x4: {  	_ = 	snop  }
0x5: {  	_ = 	snop  }
0x6: {  	_ = 	snop  }
0x7: {  	_ = 	snop  }
__scs_overlays_trampoline_lowered:
0x8: {  	[smem:$0x3FA6] =	sst s0  }
0x9: {  	[smem:$0x3FA7] =	sst s1  }
0xa: {  	[smem:$0x3FA8] =	sst s2  }
0xb: {  	[smem:$0x3FA9] =	sst s3  }
0xc: {  	[smem:$0x3FAA] =	sst s4  }
0xd: {  	[smem:$0x3FAB] =	sst s5  }
0xe: {  	[smem:$0x3FAC] =	sst s6  }
0xf: {  	[smem:$0x3FAD] =	sst s7  }
0x10: {  	[smem:$0x3FAE] =	sst s8  }
0x11: {  	[smem:$0x3FAF] =	sst s9;
	s0 =	simm.s32 @!p0 $0x0  }
0x12: {  	s1 =	sld [smem:$0x3F95];
	s0 =	simm.s32 @p0 $0x1  }
0x13: {  	[smem:$0x3FB0] =	sst s0;
	s0 =	simm.s32 @!p1 $0x0  }
0x14: {  	s2 =	sld [smem:$0x3F94];
	s0 =	simm.s32 @p1 $0x1  }
0x15: {  	[smem:$0x3FB1] =	sst s0;
	s0 =	simm.s32 @!p2 $0x0  }
0x16: {  	s3 =	sld [smem:$0x3FDB];
	s0 =	simm.s32 @p2 $0x1  }
0x17: {  	s4 =	simm.s32 $0x1BF5;
	[smem:$0x3FB3] =	sst s0  }
0x18: {  	s0 =	sld [smem:$0x3F96];
	_ =	swait.ge [sflag:s4], $0x0  }
0x19: {  	s7 =	sld [smem:$0x3F97]  }
0x1a: {  	s8 =	sadd.s32 $0xFFFFE003, lr  }
0x1b: {  	s9 =	sadd.s32 $0xFFFFFEF7, lr;
	s5 =	simm.s32 $0xFFFFFFFF;
	p2 =	slt.u32 s8, $0xFFFFF086  }
0x1c: {  	p1 =	slt.u32 s9, $0xF7A;
	s5 =	simm.s32 @!p2 $0x0  }
0x1d: {  	s5 =	simm.s32 @p1 $0x1;
	p0 =	seq.s32 s7, s2  }
0x1e: {  	s7 =	smul.u32 @!p0 $0xF7A, s2;
	p2 =	seq.s32 @!p0 s5, $0x0  }
0x1f: {  	s9 =	smul.u32 $0xF7A, s1;
	s8 =	simm.s32 @!p0 $0x1BF5;
	p2 =	por !p2, p0  }
0x20: {  	[sflag:s8] =	ssyncset.s32 @!p0 $0xFFFFF086;
	s6 =	sadd.s32 @!p0 s3, s7;
	s7 =	simm.s32 @!p0 $0x108  }
0x21: {  	s3 =	sadd.s32 s3, s9;
	s6 =	sadd.s32 @!p0 $0x88, s6;
	s7 =	simm.s32 @p2 $0x1082  }
0x22: {  	[simem:s7], [sflag:s8] =	dma.local @!p0 [hbm:s6], $0xF7A  }
0x23: {  	s9 =	sor.u32 $0xD0000000, s2;
	s6 =	simm.s32 $0x108;
	_ =	swait.ge @!p0 [sflag:s8], $0x0  }
0x24: {  	s3 =	sadd.s32 $0x88, s3;
	s6 =	simm.s32 @!p1 $0x1082;
	[sflag:s4] =	ssyncset.s32 $0xFFFFF086  }
0x25: {  	[simem:s6], [sflag:s4] =	dma.local [hbm:s3], $0xF7A  }
0x26: {  	[smem:$0x3F97] =	sst s1;
	(tag) =	ssettag s2;
	_ =	strace s9  }
0x27: {  	s1 =	sld [smem:$0x3FA7]  }
0x28: {  	s2 =	sld [smem:$0x3FA8]  }
0x29: {  	s4 =	sld [smem:$0x3FAA]  }
0x2a: {  	p0 =	seq.s32 s5, $0x0;
	s5 =	sld [smem:$0x3FAB]  }
0x2b: {  	s6 =	sld [smem:$0x3FAC]  }
0x2c: {  	s7 =	sld [smem:$0x3FAD]  }
0x2d: {  	s3 =	simm.s32 $0x108;
	s8 =	sld [smem:$0x3FAE]  }
0x2e: {  	s3 =	simm.s32 @!p0 $0x1082;
	s9 =	sld [smem:$0x3FAF]  }
0x2f: {  	lr =	sadd.s32 s0, s3;
	s0 =	sld [smem:$0x3FA6]  }
0x30: {  	s3 =	sld [smem:$0x3FA9]  }
0x31: {  	[smem:$0x3FB2] =	sst s10  }
0x32: {  	s10 =	sld [smem:$0x3FB0];
	_ =	sdelay $0x3  }
0x33: {  	p0 =	seq.s32 s10, $0x1;
	s10 =	sld [smem:$0x3FB2];
	_ =	sdelay $0x3  }
0x34: {  	[smem:$0x3FB2] =	sst s10  }
0x35: {  	s10 =	sld [smem:$0x3FB1];
	_ =	sdelay $0x3  }
0x36: {  	p1 =	seq.s32 s10, $0x1;
	s10 =	sld [smem:$0x3FB2];
	_ =	sdelay $0x3  }
0x37: {  	[smem:$0x3FB2] =	sst s10  }
0x38: {  	s10 =	sld [smem:$0x3FB3]  }
0x39: {  	_ = 	snop;
	(pc) =	sbr.ind lr, $3  }
0x3a: {  	_ = 	snop  }
0x3b: {  	_ = 	snop  }
0x3c: {  	p2 =	seq.s32 s10, $0x1;
	s10 =	sld [smem:$0x3FB2]  }
0x3d: {  	_ =	shalt  }
0x3e: {  	_ =	shalt  }
0x3f: {  	_ =	shalt  }
0x40: {  	_ =	shalt  }
0x41: {  	_ =	shalt  }
0x42: {  	_ =	shalt  }
0x43: {  	_ =	shalt  }
0x44: {  	_ =	shalt  }
0x45: {  	_ =	shalt  }
0x46: {  	_ =	shalt  }
0x47: {  	_ =	shalt  }
0x48: {  	_ =	shalt  }
0x49: {  	_ =	shalt  }
0x4a: {  	_ =	shalt  }
0x4b: {  	_ =	shalt  }
0x4c: {  	_ =	shalt  }
0x4d: {  	_ =	shalt  }
0x4e: {  	_ =	shalt  }
0x4f: {  	_ =	shalt  }
0x50: {  	_ =	shalt  }
0x51: {  	_ =	shalt  }
0x52: {  	_ =	shalt  }
0x53: {  	_ =	shalt  }
0x54: {  	_ =	shalt  }
0x55: {  	_ =	shalt  }
0x56: {  	_ =	shalt  }
0x57: {  	_ =	shalt  }
0x58: {  	_ =	shalt  }
0x59: {  	_ =	shalt  }
0x5a: {  	_ =	shalt  }
0x5b: {  	_ =	shalt  }
0x5c: {  	_ =	shalt  }
0x5d: {  	_ =	shalt  }
0x5e: {  	_ =	shalt  }
0x5f: {  	_ =	shalt  }
0x60: {  	_ =	shalt  }
0x61: {  	_ =	shalt  }
0x62: {  	_ =	shalt  }
0x63: {  	_ =	shalt  }
0x64: {  	_ =	shalt  }
0x65: {  	_ =	shalt  }
0x66: {  	_ =	shalt  }
0x67: {  	_ =	shalt  }
0x68: {  	_ =	shalt  }
0x69: {  	_ =	shalt  }
0x6a: {  	_ =	shalt  }
0x6b: {  	_ =	shalt  }
0x6c: {  	_ =	shalt  }
0x6d: {  	_ =	shalt  }
0x6e: {  	_ =	shalt  }
0x6f: {  	_ =	shalt  }
0x70: {  	_ =	shalt  }
0x71: {  	_ =	shalt  }
0x72: {  	_ =	shalt  }
0x73: {  	_ =	shalt  }
0x74: {  	_ =	shalt  }
0x75: {  	_ =	shalt  }
0x76: {  	_ =	shalt  }
0x77: {  	_ =	shalt  }
0x78: {  	_ =	shalt  }
0x79: {  	_ =	shalt  }
0x7a: {  	_ =	shalt  }
0x7b: {  	_ =	shalt  }
0x7c: {  	_ =	shalt  }
0x7d: {  	_ =	shalt  }
0x7e: {  	_ =	shalt  }
0x7f: {  	_ =	shalt  }
0x80: {  	_ =	shalt  }
0x81: {  	_ =	shalt  }
0x82: {  	_ =	shalt  }
0x83: {  	_ =	shalt  }
0x84: {  	_ =	shalt  }
0x85: {  	_ =	shalt  }
0x86: {  	_ =	shalt  }
0x87: {  	_ =	shalt  }
.Lfunc_end0:
.L_simem_size_0:
called_computation_lowered:
.L_overlay_start_0:
0x88: {  	s2 =	sld [smem:$0x3FD9]  }
0x89: {  	s3 =	sld [smem:$0x3FFE];
	_ =	sdelay $0x1  }
0x8a: {  	s1 =	srdreg.scid  }
0x8b: {  	s0 =	sand.u32 $0x1, s1  }
0x8c: {  	s16 =	sshll.u32 s0, $0xA;
	s2 =	sadd.s32 s3, s2  }
0x8d: {  	s2 =	sadd.s32 s2, s16  }
0x8e: {  	[smem:$0x3FBE] =	sst s2  }
0x8f: {  	_ = 	snop  }
0x90: {  	(tm) =	ssettm $0x1  }
0x91: {  	s17 =	sld [smem:$0x3FFB];
	_ =	sdelay $0x3  }
0x92: {  	_ =	strace s17  }
0x93: {  	s2 =	sld [smem:$0x3FFC];
	_ =	sdelay $0x3  }
0x94: {  	_ =	strace s2  }
0x95: {  	s2 =	sld [smem:$0x3FFD];
	_ =	sdelay $0x3  }
0x96: {  	_ =	strace s2  }
0x97: {  	_ =	strace $0x8FFFFFFF  }
0x98: {  	s18 =	sld [smem:$0x3FDB];
	_ =	sdelay $0x1  }
0x99: {  	s19 =	simm.s32 $_scs_section_size  }
0x9a: {  	s4 =	simm.s32 $_size__tile_overlayer_lowered;
	s5 =	simm.s32 $_tile_overlayer_lowered  }
0x9b: {  	s22 =	simm.s32 $0x1BFF;
	s21 =	sshll.u32 s5, $0x1;
	s2 =	sadd.s32 s19, s18  }
0x9c: {  	s6 =	simm.s32 $0x0;
	s20 =	sshll.u32 s4, $0x1;
	s4 =	sadd.s32 s21, s2  }
0x9d: {  	[timem:s6], [sflag:s22] =	dma.local [hbm:s4], s20  }
0x9e: {  	_ =	swait.ge [sflag:s22], s20  }
0x9f: {  	s3 =	ssub.s32 $0x0, s20;
	[sflag:s22] =	ssyncset.done $0x0  }
0xa0: {  	[sflag:s22] =	ssyncadd.s32 s3;
	_ =	sdelay $0x1  }
0xa1: {  	s23 =	simm.s32 $0x1B8B  }
0xa2: {  	_ =	swait.ge [sflag:s23], $0x1  }
0xa3: {  	[sflag:s23] =	ssyncset.done $0x0  }
0xa4: {  	s25 =	simm.s32 $0x1B8E;
	s24 =	sld [smem:$0x3FFE];
	[sflag:s23] =	ssyncadd.s32 $0xFFFFFFFF  }
0xa5: {  	s26 =	simm.s32 $execute0_lowered;
	[smem:$0x3FD2] =	sst s25  }
0xa6: {  	s4 =	sshll.u32 s26, $0x1;
	_ =	strace $0x80000046;
	[dreg:$0x1] =	wrdreg $0xFFFFFFFF  }
0xa7: {  	s28 =	simm.s32 $_size_execute0_lowered;
	s2 =	sadd.s32 s2, s4;
	[dreg:$0x0] =	wrdreg $0x0  }
0xa8: {  	s4 =	sshll.u32 s28, $0x1;
	[dreg:$0x2] =	wrdreg s2  }
0xa9: {  	[dreg:$0x3] =	wrdreg s4  }
0xaa: {  	[dreg:$0x4] =	wrdreg $0xC0  }
0xab: {  	_ =	task [dreg:s6], $0x5FFFF  }
0xac: {  	[dreg:$0x1] =	wrdreg $0xFFFFFFFF  }
0xad: {  	[dreg:$0x0] =	wrdreg $0x60  }
0xae: {  	[dreg:$0x2] =	wrdreg s24  }
0xaf: {  	[dreg:$0x3] =	wrdreg $0x9  }
0xb0: {  	_ =	task.clear_ibuf [dreg:s6], $0x4FFFF;
	_ =	strace $0x90000046  }
0xb1: {  	s29 =	simm.s32 $0x9;
	_ =	strace $0x80000048  }
0xb2: {  	_ =	swait.ge [sflag:s29], $0x1  }
0xb3: {  	[sflag:s29] =	ssyncadd.s32 $0xFFFFFFFF  }
0xb4: {  	_ =	strace $0x90000048  }
0xb5: {  	_ =	sfence  }
0xb6: {  	s30 =	sld [smem:$0x0];
	_ =	sdelay $0x2  }
0xb7: {  	s31 =	sshll.u32 s1, $0xD;
	s1 =	sshrl.u32 s1, $0x2  }
0xb8: {  	s3 =	sand.u32 $0x4000, s31;
	s1 =	sadd.s32 s1, s30  }
0xb9: {  	s0 =	sor.u32 s3, s0;
	s1 =	sshll.u32 s1, $0x11  }
0xba: {  	s0 =	sor.u32 s1, s0  }
0xbb: {  	s0 =	sadd.s32 $0x8F2B, s0  }
0xbc: {  	[sflag:s0] =	ssyncadd.remote.s32 $0x1  }
0xbd: {  	_ =	sfence.sel $0xFFFF  }
0xbe: {  	[dreg:$0x0] =	wrdreg $0xFFFFFFFF;
	(pc) =	sbr.abs _section_cstart, $3  }
0xbf: {  	[dreg:$0x1] =	wrdreg $0xFFFFFFFF  }
0xc0: {  	_ =	task.clear_ibuf [dreg:s6], $0x2FFFF;
	_ =	strace $0x9FFFFFFF  }
0xc1: {  	(tm) =	ssettm $0x7FFFFFFF  }
tec
execute0_lowered:
.L_overlay_start_1:
0x0: {  	(tag) =	ssettag $0x1  }
0x1: {  	s0 =	rddreg [dreg:$0x0];
	s2 =	simm.s32 $0x0  }
0x2: {  	s1 =	srdreg.scid;
	s3 =	stileid.u32;
	s13 =	simm.s32 $0x5  }
0x3: {  	s15 =	simm.s32 $0x80;
	s16 =	simm.s32 $0x4000;
	s17 =	simm.s32 $0xC000  }
0x4: {  	s18 =	simm.s32 $0x8000;
	s19 =	simm.s32 $0x10000;
	s20 =	simm.s32 $0x1  }
0x5: {  	s21 =	simm.s32 $0x14000;
	s1 =	sand.u32 $0x1, s1;
	s4 =	sshll.u32 s3, $0x1  }
0x6: {  	s22 =	simm.s32 $0x3;
	s23 =	simm.s32 $0x2;
	s6 =	sor.u32 s1, s4  }
0x7: {  	s24 =	simm.s32 $0x4;
	s3 =	sadd.s32 $0x11C00, s0;
	s7 =	sshll.u32 s6, $0x9  }
0x8: {  	s5 =	sadd.s32 $0x55D200, s0;
	s4 =	sadd.s32 $0x509C00, s0;
	s0 =	sadd.s32 s7, s0  }
0x9: {  	s26 =	simm.s32 $0x0;
	[smem:$0x7FF] =	sst s2;
	s7 =	sadd.s32 $0x1C00, s0  }
0xa: {  	_ =	strace $0x80000047;
	s29 =	sadd.s32 $0x5C00, s0;
	[dreg:$0x2] =	wrdreg s7  }
0xb: {  	s1 =	ssub.s32 $0x2, s1;
	s30 =	sadd.s32 $0x9C00, s0;
	[dreg:$0x3] =	wrdreg s29  }
0xc: {  	s8 =	sshrl.u32 s1, $0x1;
	s31 =	sadd.s32 $0xDC00, s0;
	[dreg:$0x4] =	wrdreg s30  }
0xd: {  	v0 =	vlaneseq.u32;
	s1 =	ssub.s32 s1, s8;
	s0 =	sadd.s32 $0x559200, s0;
	[dreg:$0x5] =	wrdreg s31  }
0xe: {  	v0 =	vmul.u32 $0x80, v0;
	s10 =	smul.u32 $0x68000, s6;
	s12 =	smax.u32 s1, $0x1;
	[dreg:$0x6] =	wrdreg s0  }
.LBB2_1:
0xf: {  	s0 =	rddreg [dreg:$0x2]  }
0x10: {  	[tilespmem:s2], [sflag:$0x5] =	stream.linear.gather [hbm4b:s0+s2], $0xD00, $0x38;
	[tilespmem:$0x19000] =	vst v63  }
0x11: {  	_ =	swait.ge [sflag:s13], $0xD00  }
0x12: {  	[sflag:s13] =	ssyncset.done $0x0  }
0x13: {  	s8 =	simm.s32 $0x1000;
	s14 =	rddreg [dreg:$0x3];
	[sflag:s13] =	ssyncadd.s32 $0xFFFFF300  }
0x14: {  	[tilespmem:s8], [sflag:$0x5] =	stream.linear.gather [hbm4b:s14+s2], $0xD00, $0x38;
	[tilespmem:$0x19000] =	vst v63  }
0x15: {  	_ =	swait.ge [sflag:s13], $0xD00  }
0x16: {  	[sflag:s13] =	ssyncset.done $0x0  }
0x17: {  	s1 =	simm.s32 $0x2000;
	s25 =	rddreg [dreg:$0x4];
	[sflag:s13] =	ssyncadd.s32 $0xFFFFF300  }
0x18: {  	[tilespmem:s1], [sflag:$0x5] =	stream.linear.gather [hbm4b:s25+s2], $0xD00, $0x38;
	[tilespmem:$0x19000] =	vst v63  }
0x19: {  	_ =	swait.ge [sflag:s13], $0xD00  }
0x1a: {  	[sflag:s13] =	ssyncset.done $0x0  }
0x1b: {  	s29 =	simm.s32 $0x3000;
	s28 =	rddreg [dreg:$0x5];
	[sflag:s13] =	ssyncadd.s32 $0xFFFFF300  }
0x1c: {  	[tilespmem:s29], [sflag:$0x5] =	stream.linear.gather [hbm4b:s28+s2], $0xD00, $0x38;
	[tilespmem:$0x19000] =	vst v63  }
0x1d: {  	_ =	swait.ge [sflag:s13], $0xD00  }
0x1e: {  	[sflag:s13] =	ssyncset.done $0x0  }
0x1f: {  	[sflag:s13] =	ssyncadd.s32 $0xFFFFF300  }
0x20: {  	[tilespmem:s16], [sflag:$0x1] =	stream.indirect.gather [hbm4b:s3+s15], $0x80, s2, s15, $0xb8;
	[tilespmem:$0x19000] =	vst v63  }
0x21: {  	s30 =	simm.s32 $0x1080;
	s31 =	simm.s32 $0x3080  }
0x22: {  	[tilespmem:s17], [sflag:$0x3] =	stream.indirect.gather [hbm4b:s4+s15], $0x80, s1, s15, $0xb8;
	[tilespmem:$0x19000] =	vst v63  }
0x23: {  	s0 =	simm.s32 $0x18080;
	s25 =	simm.s32 $0x0;
	s1 =	simm.s32 $0x18000  }
.LBB2_2:
0x24: {  	s14 =	sshllo.u32 s25, $0x1  }
0x25: {  	s6 =	sshll.u32 s14, $0x7  }
0x26: {  	[tilespmem:s18], [sflag:$0x2] =	stream.indirect.gather [hbm4b:s3+s15], $0x80, s6, s15, $0xb8;
	[tilespmem:$0x19000] =	vst v63  }
0x27: {  	s6 =	sadd.s32 $0x2000, s6  }
0x28: {  	[tilespmem:s19], [sflag:$0x4] =	stream.indirect.gather [hbm4b:s4+s15], $0x80, s6, s15, $0xb8;
	[tilespmem:$0x19000] =	vst v63  }
0x29: {  	_ =	swait.ge [sflag:s20], $0x4000  }
0x2a: {  	[sflag:s20] =	ssyncset.done $0x0  }
0x2b: {  	[sflag:s20] =	ssyncadd.s32 $0xFFFFC000  }
0x2c: {  	v1 =	vld [tilespmem:s8+$0x0];
	_ =	sdelay $0x2  }
0x2d: {  	s11 =	simm.s32 $0x0  }
0x2e: {  	v2 =	vmov s11  }
0x2f: {  	v2 =	vshll.u32 v2, $0x7;
	v1 =	vshll.u32 v1, $0x4  }
0x30: {  	v4 =	vor.u32 v0, v2;
	v3 =	vand.u32 $0xFFFFFF80, v1  }
0x31: {  	v1 =	vand.u32 $0x70, v1;
	v2 =	vadd.s32 v4, v3  }
0x32: {  	v1 =	vor.u32 v1, v2;
	_ =	sdelay $0x4  }
0x33: {  	v2 =	vld.idx.msk [tilespmem:v1+s16+$0x0], $0xffff  }
0x34: {  	v3 =	vor.u32 $0x1, v1;
	_ =	sdelay $0x3  }
0x35: {  	[tilespmem:v4+s21+$0x0] =	vst.idx.msk $0xffff, v2  }
0x36: {  	v2 =	vld.idx.msk [tilespmem:v3+s16+$0x0], $0xffff;
	v3 =	vor.u32 $0x1, v4  }
0x37: {  	v5 =	vor.u32 $0x2, v1;
	_ =	sdelay $0x3  }
0x38: {  	[tilespmem:v3+s21+$0x0] =	vst.idx.msk $0xffff, v2  }
0x39: {  	v3 =	vor.u32 $0x2, v4;
	v2 =	vld.idx.msk [tilespmem:v5+s16+$0x0], $0xffff  }
0x3a: {  	v52 =	vor.u32 $0x3, v1;
	_ =	sdelay $0x3  }
0x3b: {  	[tilespmem:v3+s21+$0x0] =	vst.idx.msk $0xffff, v2  }
0x3c: {  	v3 =	vor.u32 $0x3, v4;
	v2 =	vld.idx.msk [tilespmem:v52+s16+$0x0], $0xffff  }
0x3d: {  	v53 =	vor.u32 $0x4, v1;
	_ =	sdelay $0x3  }
0x3e: {  	[tilespmem:v3+s21+$0x0] =	vst.idx.msk $0xffff, v2  }
0x3f: {  	v3 =	vor.u32 $0x4, v4;
	v2 =	vld.idx.msk [tilespmem:v53+s16+$0x0], $0xffff  }
0x40: {  	v54 =	vor.u32 $0x5, v1;
	_ =	sdelay $0x3  }
0x41: {  	[tilespmem:v3+s21+$0x0] =	vst.idx.msk $0xffff, v2  }
0x42: {  	v3 =	vor.u32 $0x5, v4;
	v2 =	vld.idx.msk [tilespmem:v54+s16+$0x0], $0xffff  }
0x43: {  	v55 =	vor.u32 $0x6, v1;
	_ =	sdelay $0x3  }
0x44: {  	[tilespmem:v3+s21+$0x0] =	vst.idx.msk $0xffff, v2  }
0x45: {  	v3 =	vor.u32 $0x6, v4;
	v2 =	vld.idx.msk [tilespmem:v55+s16+$0x0], $0xffff  }
0x46: {  	v56 =	vor.u32 $0x7, v1;
	_ =	sdelay $0x3  }
0x47: {  	[tilespmem:v3+s21+$0x0] =	vst.idx.msk $0xffff, v2  }
0x48: {  	v3 =	vor.u32 $0x7, v4;
	v2 =	vld.idx.msk [tilespmem:v56+s16+$0x0], $0xffff  }
0x49: {  	v57 =	vor.u32 $0x8, v1;
	_ =	sdelay $0x3  }
0x4a: {  	[tilespmem:v3+s21+$0x0] =	vst.idx.msk $0xffff, v2  }
0x4b: {  	v3 =	vor.u32 $0x8, v4;
	v2 =	vld.idx.msk [tilespmem:v57+s16+$0x0], $0xffff  }
0x4c: {  	v58 =	vor.u32 $0x9, v1;
	_ =	sdelay $0x3  }
0x4d: {  	[tilespmem:v3+s21+$0x0] =	vst.idx.msk $0xffff, v2  }
0x4e: {  	v3 =	vor.u32 $0x9, v4;
	v2 =	vld.idx.msk [tilespmem:v58+s16+$0x0], $0xffff  }
0x4f: {  	v59 =	vor.u32 $0xA, v1;
	_ =	sdelay $0x3  }
0x50: {  	[tilespmem:v3+s21+$0x0] =	vst.idx.msk $0xffff, v2  }
0x51: {  	v3 =	vor.u32 $0xA, v4;
	v2 =	vld.idx.msk [tilespmem:v59+s16+$0x0], $0xffff  }
0x52: {  	v60 =	vor.u32 $0xB, v1;
	_ =	sdelay $0x3  }
0x53: {  	[tilespmem:v3+s21+$0x0] =	vst.idx.msk $0xffff, v2  }
0x54: {  	v3 =	vor.u32 $0xB, v4;
	v2 =	vld.idx.msk [tilespmem:v60+s16+$0x0], $0xffff  }
0x55: {  	v61 =	vor.u32 $0xC, v1;
	_ =	sdelay $0x3  }
0x56: {  	[tilespmem:v3+s21+$0x0] =	vst.idx.msk $0xffff, v2  }
0x57: {  	v3 =	vor.u32 $0xC, v4;
	v2 =	vld.idx.msk [tilespmem:v61+s16+$0x0], $0xffff  }
0x58: {  	v62 =	vor.u32 $0xD, v1;
	_ =	sdelay $0x3  }
0x59: {  	[tilespmem:v3+s21+$0x0] =	vst.idx.msk $0xffff, v2  }
0x5a: {  	v3 =	vor.u32 $0xD, v4;
	v2 =	vld.idx.msk [tilespmem:v62+s16+$0x0], $0xffff  }
0x5b: {  	v63 =	vor.u32 $0xE, v1;
	_ =	sdelay $0x3  }
0x5c: {  	[tilespmem:v3+s21+$0x0] =	vst.idx.msk $0xffff, v2  }
0x5d: {  	v3 =	vor.u32 $0xE, v4;
	v2 =	vld.idx.msk [tilespmem:v63+s16+$0x0], $0xffff  }
0x5e: {  	v1 =	vor.u32 $0xF, v1;
	_ =	sdelay $0x3  }
0x5f: {  	[tilespmem:v3+s21+$0x0] =	vst.idx.msk $0xffff, v2  }
0x60: {  	s7 =	simm.s32 $0x10;
	s28 =	smov.u32 s8;
	s6 =	sshll.u32 s25, $0x1;
	v2 =	vld.idx.msk [tilespmem:v1+s16+$0x0], $0xffff;
	v1 =	vor.u32 $0xF, v4  }
.LBB2_3:
0x61: {  	_ =	sdelay $0x2  }
0x62: {  	p0 =	sne.s32 s7, $0x70  }
0x63: {  	s28 =	sadd.s32 $0x10, s28;
	s9 =	smov.u32 s7;
	s7 =	sadd.s32 $0x10, s7;
	[tilespmem:v1+s21+$0x0] =	vst.idx.msk $0xffff, v2  }
0x64: {  	v1 =	vld [tilespmem:s28+$0x0];
	_ =	sdelay $0x3  }
0x65: {  	v2 =	vmov s9  }
0x66: {  	v2 =	vshll.u32 v2, $0x7;
	v3 =	vshll.u32 v1, $0x4  }
0x67: {  	v1 =	vor.u32 v0, v2;
	v4 =	vand.u32 $0xFFFFFF80, v3  }
0x68: {  	v2 =	vand.u32 $0x70, v3;
	v3 =	vadd.s32 v1, v4  }
0x69: {  	v2 =	vor.u32 v2, v3;
	_ =	sdelay $0x4  }
0x6a: {  	v3 =	vld.idx.msk [tilespmem:v2+s16+$0x0], $0xffff;
	_ =	sdelay $0x1  }
0x6b: {  	v4 =	vor.u32 $0x1, v2;
	_ =	sdelay $0x3  }
0x6c: {  	[tilespmem:v1+s21+$0x0] =	vst.idx.msk $0xffff, v3  }
0x6d: {  	v3 =	vld.idx.msk [tilespmem:v4+s16+$0x0], $0xffff  }
0x6e: {  	v4 =	vor.u32 $0x1, v1  }
0x6f: {  	v5 =	vor.u32 $0x2, v2;
	_ =	sdelay $0x3  }
0x70: {  	[tilespmem:v4+s21+$0x0] =	vst.idx.msk $0xffff, v3  }
0x71: {  	v3 =	vld.idx.msk [tilespmem:v5+s16+$0x0], $0xffff  }
0x72: {  	v4 =	vor.u32 $0x2, v1  }
0x73: {  	v5 =	vor.u32 $0x3, v2;
	_ =	sdelay $0x3  }
0x74: {  	[tilespmem:v4+s21+$0x0] =	vst.idx.msk $0xffff, v3  }
0x75: {  	v3 =	vld.idx.msk [tilespmem:v5+s16+$0x0], $0xffff  }
0x76: {  	v4 =	vor.u32 $0x3, v1  }
0x77: {  	v5 =	vor.u32 $0x4, v2;
	_ =	sdelay $0x3  }
0x78: {  	[tilespmem:v4+s21+$0x0] =	vst.idx.msk $0xffff, v3  }
0x79: {  	v3 =	vld.idx.msk [tilespmem:v5+s16+$0x0], $0xffff  }
0x7a: {  	v4 =	vor.u32 $0x4, v1  }
0x7b: {  	v5 =	vor.u32 $0x5, v2;
	_ =	sdelay $0x3  }
0x7c: {  	[tilespmem:v4+s21+$0x0] =	vst.idx.msk $0xffff, v3  }
0x7d: {  	v3 =	vld.idx.msk [tilespmem:v5+s16+$0x0], $0xffff  }
0x7e: {  	v4 =	vor.u32 $0x5, v1  }
0x7f: {  	v5 =	vor.u32 $0x6, v2;
	_ =	sdelay $0x3  }
0x80: {  	[tilespmem:v4+s21+$0x0] =	vst.idx.msk $0xffff, v3  }
0x81: {  	v3 =	vld.idx.msk [tilespmem:v5+s16+$0x0], $0xffff  }
0x82: {  	v4 =	vor.u32 $0x6, v1  }
0x83: {  	v5 =	vor.u32 $0x7, v2;
	_ =	sdelay $0x3  }
0x84: {  	[tilespmem:v4+s21+$0x0] =	vst.idx.msk $0xffff, v3  }
0x85: {  	v3 =	vld.idx.msk [tilespmem:v5+s16+$0x0], $0xffff  }
0x86: {  	v4 =	vor.u32 $0x7, v1  }
0x87: {  	v5 =	vor.u32 $0x8, v2;
	_ =	sdelay $0x3  }
0x88: {  	[tilespmem:v4+s21+$0x0] =	vst.idx.msk $0xffff, v3  }
0x89: {  	v3 =	vld.idx.msk [tilespmem:v5+s16+$0x0], $0xffff  }
0x8a: {  	v4 =	vor.u32 $0x8, v1  }
0x8b: {  	v5 =	vor.u32 $0x9, v2;
	_ =	sdelay $0x3  }
0x8c: {  	[tilespmem:v4+s21+$0x0] =	vst.idx.msk $0xffff, v3  }
0x8d: {  	v3 =	vld.idx.msk [tilespmem:v5+s16+$0x0], $0xffff  }
0x8e: {  	v4 =	vor.u32 $0x9, v1  }
0x8f: {  	v5 =	vor.u32 $0xA, v2;
	_ =	sdelay $0x3  }
0x90: {  	[tilespmem:v4+s21+$0x0] =	vst.idx.msk $0xffff, v3  }
0x91: {  	v3 =	vld.idx.msk [tilespmem:v5+s16+$0x0], $0xffff  }
0x92: {  	v4 =	vor.u32 $0xA, v1  }
0x93: {  	v5 =	vor.u32 $0xB, v2;
	_ =	sdelay $0x3  }
0x94: {  	[tilespmem:v4+s21+$0x0] =	vst.idx.msk $0xffff, v3  }
0x95: {  	v3 =	vld.idx.msk [tilespmem:v5+s16+$0x0], $0xffff  }
0x96: {  	v4 =	vor.u32 $0xB, v1  }
0x97: {  	v5 =	vor.u32 $0xC, v2;
	_ =	sdelay $0x3  }
0x98: {  	[tilespmem:v4+s21+$0x0] =	vst.idx.msk $0xffff, v3  }
0x99: {  	v3 =	vld.idx.msk [tilespmem:v5+s16+$0x0], $0xffff  }
0x9a: {  	v4 =	vor.u32 $0xC, v1  }
0x9b: {  	v5 =	vor.u32 $0xD, v2;
	_ =	sdelay $0x3  }
0x9c: {  	[tilespmem:v4+s21+$0x0] =	vst.idx.msk $0xffff, v3  }
0x9d: {  	v3 =	vld.idx.msk [tilespmem:v5+s16+$0x0], $0xffff  }
0x9e: {  	v4 =	vor.u32 $0xD, v1  }
0x9f: {  	v5 =	vor.u32 $0xE, v2;
	_ =	sdelay $0x3  }
0xa0: {  	[tilespmem:v4+s21+$0x0] =	vst.idx.msk $0xffff, v3  }
0xa1: {  	v3 =	vld.idx.msk [tilespmem:v5+s16+$0x0], $0xffff  }
0xa2: {  	v4 =	vor.u32 $0xE, v1  }
0xa3: {  	v2 =	vor.u32 $0xF, v2;
	_ =	sdelay $0x1  }
.Ltmp0:
0xa4: {  	(pc) =	sbr.rel @p0 .LBB2_3-.Ltmp0, $4  }
0xa5: {  	_ = 	snop  }
0xa6: {  	[tilespmem:v4+s21+$0x0] =	vst.idx.msk $0xffff, v3  }
0xa7: {  	v2 =	vld.idx.msk [tilespmem:v2+s16+$0x0], $0xffff  }
0xa8: {  	v1 =	vor.u32 $0xF, v1  }
0xa9: {  	_ = 	snop  }
0xaa: {  	s7 =	sshll.u32 s25, $0xF  }
0xab: {  	s7 =	sadd.s32 s10, s7  }
0xac: {  	s7 =	sshrl.u32 s7, $0x3  }
0xad: {  	[tilespmem:v1+s21+$0x0] =	vst.idx.msk $0xffff, v2;
	s7 =	sadd.s32 s5, s7  }
0xae: {  	[hbm4b:s7+s2] =	stream.linear.scatter [tilespmem:s21], [sflag:$0x5], $0x4000, $0x38;
	[tilespmem:$0x19000] =	vst v63  }
0xaf: {  	s6 =	sadd.s32 $0x2, s6;
	p0 =	seq.s32 s25, $0xC;
	_ =	swait.ge [sflag:s13], $0x4000  }
0xb0: {  	s6 =	sshll.u32 @!p0 s6, $0x7;
	s9 =	simm.s32 @!p0 $0x4000;
	[sflag:s13] =	ssyncset.done $0x0  }
0xb1: {  	s6 =	sand.u32 @!p0 $0x3FFFFF80, s6;
	s7 =	simm.s32 @!p0 $0x80;
	[sflag:s13] =	ssyncadd.s32 $0xFFFFC000  }
0xb2: {  	[tilespmem:s9], [sflag:$0x1] =	stream.indirect.gather @!p0 [hbm4b:s3+s7], $0x80, s6, s7, $0xb8;
	[tilespmem:$0x19000] =	vst v63  }
0xb3: {  	_ =	swait.ge [sflag:s22], $0x4000  }
0xb4: {  	[sflag:s22] =	ssyncset.done $0x0  }
0xb5: {  	[sflag:s22] =	ssyncadd.s32 $0xFFFFC000  }
0xb6: {  	v1 =	vld [tilespmem:s29+$0x0];
	_ =	sdelay $0x1  }
0xb7: {  	s11 =	simm.s32 $0x0  }
0xb8: {  	v2 =	vmov s11  }
0xb9: {  	v2 =	vshll.u32 v2, $0x7  }
0xba: {  	v2 =	vor.u32 v0, v2;
	v3 =	vand.u32 $0xFFFFFF80, v1  }
0xbb: {  	v1 =	vand.u32 $0x7F, v1;
	v2 =	vadd.s32 v2, v3  }
0xbc: {  	v1 =	vor.u32 v1, v2;
	_ =	sdelay $0x4  }
0xbd: {  	v1 =	vld.idx.msk [tilespmem:v1+s17+$0x0], $0xffff;
	_ =	sdelay $0x4  }
0xbe: {  	s28 =	sadd.s32 $0x10, s29;
	[tilespmem:s1+$0x0] =	vst v1  }
0xbf: {  	s11 =	simm.s32 $0x20;
	s9 =	simm.s32 $0x10;
	s7 =	smov.u32 s1;
	v1 =	vld [tilespmem:s28+$0x0]  }
.LBB2_5:
0xc0: {  	p1 =	sne.s32 s11, $0x70;
	_ =	sdelay $0x1  }
0xc1: {  	v2 =	vmov s9;
	s9 =	smov.u32 s11  }
0xc2: {  	v2 =	vshll.u32 v2, $0x7  }
0xc3: {  	v2 =	vor.u32 v0, v2;
	v3 =	vand.u32 $0xFFFFFF80, v1  }
0xc4: {  	v1 =	vand.u32 $0x7F, v1;
	v2 =	vadd.s32 v2, v3  }
0xc5: {  	v1 =	vor.u32 v1, v2;
	_ =	sdelay $0x4  }
0xc6: {  	v1 =	vld.idx.msk [tilespmem:v1+s17+$0x0], $0xffff;
	_ =	sdelay $0x2  }
.Ltmp1:
0xc7: {  	(pc) =	sbr.rel @p1 .LBB2_5-.Ltmp1, $4  }
0xc8: {  	_ = 	snop  }
0xc9: {  	s7 =	sadd.s32 $0x10, s7  }
0xca: {  	s28 =	sadd.s32 $0x10, s28;
	[tilespmem:s7+$0x0] =	vst v1  }
0xcb: {  	s11 =	sadd.s32 $0x10, s11;
	v1 =	vld [tilespmem:s28+$0x0]  }
0xcc: {  	_ =	sdelay $0x1  }
0xcd: {  	v2 =	vmov s9  }
0xce: {  	v2 =	vshll.u32 v2, $0x7  }
0xcf: {  	v2 =	vor.u32 v0, v2;
	v3 =	vand.u32 $0xFFFFFF80, v1  }
0xd0: {  	v1 =	vand.u32 $0x7F, v1;
	v2 =	vadd.s32 v2, v3  }
0xd1: {  	v1 =	vor.u32 v1, v2;
	_ =	sdelay $0x4  }
0xd2: {  	v1 =	vld.idx.msk [tilespmem:v1+s17+$0x0], $0xffff;
	_ =	sdelay $0x3  }
0xd3: {  	s7 =	sadd.s32 $0x10, s7  }
0xd4: {  	s6 =	sadd.s32 @!p0 $0x2000, s6;
	s9 =	simm.s32 @!p0 $0xC000;
	[tilespmem:s7+$0x0] =	vst v1;
	s7 =	simm.s32 @!p0 $0x80  }
0xd5: {  	[tilespmem:s9], [sflag:$0x3] =	stream.indirect.gather @!p0 [hbm4b:s4+s7], $0x80, s6, s7, $0xb8;
	[tilespmem:$0x19000] =	vst v63  }
0xd6: {  	_ =	swait.ge [sflag:s23], $0x4000  }
0xd7: {  	[sflag:s23] =	ssyncset.done $0x0  }
0xd8: {  	[sflag:s23] =	ssyncadd.s32 $0xFFFFC000  }
0xd9: {  	v1 =	vld [tilespmem:s30+$0x0];
	_ =	sdelay $0x2  }
0xda: {  	s28 =	simm.s32 $0x0  }
0xdb: {  	v2 =	vmov s28  }
0xdc: {  	v2 =	vshll.u32 v2, $0x7;
	v1 =	vshll.u32 v1, $0x4  }
0xdd: {  	v4 =	vor.u32 v0, v2;
	v3 =	vand.u32 $0xFFFFFF80, v1  }
0xde: {  	v1 =	vand.u32 $0x70, v1;
	v2 =	vadd.s32 v4, v3  }
0xdf: {  	v1 =	vor.u32 v1, v2;
	_ =	sdelay $0x4  }
0xe0: {  	v2 =	vld.idx.msk [tilespmem:v1+s18+$0x0], $0xffff  }
0xe1: {  	v3 =	vor.u32 $0x1, v1;
	_ =	sdelay $0x3  }
0xe2: {  	[tilespmem:v4+s21+$0x0] =	vst.idx.msk $0xffff, v2  }
0xe3: {  	v2 =	vld.idx.msk [tilespmem:v3+s18+$0x0], $0xffff;
	v3 =	vor.u32 $0x1, v4  }
0xe4: {  	v5 =	vor.u32 $0x2, v1;
	_ =	sdelay $0x3  }
0xe5: {  	[tilespmem:v3+s21+$0x0] =	vst.idx.msk $0xffff, v2  }
0xe6: {  	v3 =	vor.u32 $0x2, v4;
	v2 =	vld.idx.msk [tilespmem:v5+s18+$0x0], $0xffff  }
0xe7: {  	v52 =	vor.u32 $0x3, v1;
	_ =	sdelay $0x3  }
0xe8: {  	[tilespmem:v3+s21+$0x0] =	vst.idx.msk $0xffff, v2  }
0xe9: {  	v3 =	vor.u32 $0x3, v4;
	v2 =	vld.idx.msk [tilespmem:v52+s18+$0x0], $0xffff  }
0xea: {  	v53 =	vor.u32 $0x4, v1;
	_ =	sdelay $0x3  }
0xeb: {  	[tilespmem:v3+s21+$0x0] =	vst.idx.msk $0xffff, v2  }
0xec: {  	v3 =	vor.u32 $0x4, v4;
	v2 =	vld.idx.msk [tilespmem:v53+s18+$0x0], $0xffff  }
0xed: {  	v54 =	vor.u32 $0x5, v1;
	_ =	sdelay $0x3  }
0xee: {  	[tilespmem:v3+s21+$0x0] =	vst.idx.msk $0xffff, v2  }
0xef: {  	v3 =	vor.u32 $0x5, v4;
	v2 =	vld.idx.msk [tilespmem:v54+s18+$0x0], $0xffff  }
0xf0: {  	v55 =	vor.u32 $0x6, v1;
	_ =	sdelay $0x3  }
0xf1: {  	[tilespmem:v3+s21+$0x0] =	vst.idx.msk $0xffff, v2  }
0xf2: {  	v3 =	vor.u32 $0x6, v4;
	v2 =	vld.idx.msk [tilespmem:v55+s18+$0x0], $0xffff  }
0xf3: {  	v56 =	vor.u32 $0x7, v1;
	_ =	sdelay $0x3  }
0xf4: {  	[tilespmem:v3+s21+$0x0] =	vst.idx.msk $0xffff, v2  }
0xf5: {  	v3 =	vor.u32 $0x7, v4;
	v2 =	vld.idx.msk [tilespmem:v56+s18+$0x0], $0xffff  }
0xf6: {  	v57 =	vor.u32 $0x8, v1;
	_ =	sdelay $0x3  }
0xf7: {  	[tilespmem:v3+s21+$0x0] =	vst.idx.msk $0xffff, v2  }
0xf8: {  	v3 =	vor.u32 $0x8, v4;
	v2 =	vld.idx.msk [tilespmem:v57+s18+$0x0], $0xffff  }
0xf9: {  	v58 =	vor.u32 $0x9, v1;
	_ =	sdelay $0x3  }
0xfa: {  	[tilespmem:v3+s21+$0x0] =	vst.idx.msk $0xffff, v2  }
0xfb: {  	v3 =	vor.u32 $0x9, v4;
	v2 =	vld.idx.msk [tilespmem:v58+s18+$0x0], $0xffff  }
0xfc: {  	v59 =	vor.u32 $0xA, v1;
	_ =	sdelay $0x3  }
0xfd: {  	[tilespmem:v3+s21+$0x0] =	vst.idx.msk $0xffff, v2  }
0xfe: {  	v3 =	vor.u32 $0xA, v4;
	v2 =	vld.idx.msk [tilespmem:v59+s18+$0x0], $0xffff  }
0xff: {  	v60 =	vor.u32 $0xB, v1;
	_ =	sdelay $0x3  }
0x100: {  	[tilespmem:v3+s21+$0x0] =	vst.idx.msk $0xffff, v2  }
0x101: {  	v3 =	vor.u32 $0xB, v4;
	v2 =	vld.idx.msk [tilespmem:v60+s18+$0x0], $0xffff  }
0x102: {  	v61 =	vor.u32 $0xC, v1;
	_ =	sdelay $0x3  }
0x103: {  	[tilespmem:v3+s21+$0x0] =	vst.idx.msk $0xffff, v2  }
0x104: {  	v3 =	vor.u32 $0xC, v4;
	v2 =	vld.idx.msk [tilespmem:v61+s18+$0x0], $0xffff  }
0x105: {  	v62 =	vor.u32 $0xD, v1;
	_ =	sdelay $0x3  }
0x106: {  	[tilespmem:v3+s21+$0x0] =	vst.idx.msk $0xffff, v2  }
0x107: {  	v3 =	vor.u32 $0xD, v4;
	v2 =	vld.idx.msk [tilespmem:v62+s18+$0x0], $0xffff  }
0x108: {  	v63 =	vor.u32 $0xE, v1;
	_ =	sdelay $0x3  }
0x109: {  	[tilespmem:v3+s21+$0x0] =	vst.idx.msk $0xffff, v2  }
0x10a: {  	v3 =	vor.u32 $0xE, v4;
	v2 =	vld.idx.msk [tilespmem:v63+s18+$0x0], $0xffff  }
0x10b: {  	v1 =	vor.u32 $0xF, v1;
	_ =	sdelay $0x3  }
0x10c: {  	[tilespmem:v3+s21+$0x0] =	vst.idx.msk $0xffff, v2  }
0x10d: {  	s6 =	simm.s32 $0x10;
	s7 =	smov.u32 s30;
	v2 =	vld.idx.msk [tilespmem:v1+s18+$0x0], $0xffff;
	v1 =	vor.u32 $0xF, v4  }
.LBB2_7:
0x10e: {  	_ =	sdelay $0x2  }
0x10f: {  	p0 =	sne.s32 s6, $0x70  }
0x110: {  	s7 =	sadd.s32 $0x10, s7;
	s9 =	smov.u32 s6;
	s6 =	sadd.s32 $0x10, s6;
	[tilespmem:v1+s21+$0x0] =	vst.idx.msk $0xffff, v2  }
0x111: {  	v1 =	vld [tilespmem:s7+$0x0];
	_ =	sdelay $0x3  }
0x112: {  	v2 =	vmov s9  }
0x113: {  	v2 =	vshll.u32 v2, $0x7;
	v3 =	vshll.u32 v1, $0x4  }
0x114: {  	v1 =	vor.u32 v0, v2;
	v4 =	vand.u32 $0xFFFFFF80, v3  }
0x115: {  	v2 =	vand.u32 $0x70, v3;
	v3 =	vadd.s32 v1, v4  }
0x116: {  	v2 =	vor.u32 v2, v3;
	_ =	sdelay $0x4  }
0x117: {  	v3 =	vld.idx.msk [tilespmem:v2+s18+$0x0], $0xffff;
	_ =	sdelay $0x1  }
0x118: {  	v4 =	vor.u32 $0x1, v2;
	_ =	sdelay $0x3  }
0x119: {  	[tilespmem:v1+s21+$0x0] =	vst.idx.msk $0xffff, v3  }
0x11a: {  	v3 =	vld.idx.msk [tilespmem:v4+s18+$0x0], $0xffff  }
0x11b: {  	v4 =	vor.u32 $0x1, v1  }
0x11c: {  	v5 =	vor.u32 $0x2, v2;
	_ =	sdelay $0x3  }
0x11d: {  	[tilespmem:v4+s21+$0x0] =	vst.idx.msk $0xffff, v3  }
0x11e: {  	v3 =	vld.idx.msk [tilespmem:v5+s18+$0x0], $0xffff  }
0x11f: {  	v4 =	vor.u32 $0x2, v1  }
0x120: {  	v5 =	vor.u32 $0x3, v2;
	_ =	sdelay $0x3  }
0x121: {  	[tilespmem:v4+s21+$0x0] =	vst.idx.msk $0xffff, v3  }
0x122: {  	v3 =	vld.idx.msk [tilespmem:v5+s18+$0x0], $0xffff  }
0x123: {  	v4 =	vor.u32 $0x3, v1  }
0x124: {  	v5 =	vor.u32 $0x4, v2;
	_ =	sdelay $0x3  }
0x125: {  	[tilespmem:v4+s21+$0x0] =	vst.idx.msk $0xffff, v3  }
0x126: {  	v3 =	vld.idx.msk [tilespmem:v5+s18+$0x0], $0xffff  }
0x127: {  	v4 =	vor.u32 $0x4, v1  }
0x128: {  	v5 =	vor.u32 $0x5, v2;
	_ =	sdelay $0x3  }
0x129: {  	[tilespmem:v4+s21+$0x0] =	vst.idx.msk $0xffff, v3  }
0x12a: {  	v3 =	vld.idx.msk [tilespmem:v5+s18+$0x0], $0xffff  }
0x12b: {  	v4 =	vor.u32 $0x5, v1  }
0x12c: {  	v5 =	vor.u32 $0x6, v2;
	_ =	sdelay $0x3  }
0x12d: {  	[tilespmem:v4+s21+$0x0] =	vst.idx.msk $0xffff, v3  }
0x12e: {  	v3 =	vld.idx.msk [tilespmem:v5+s18+$0x0], $0xffff  }
0x12f: {  	v4 =	vor.u32 $0x6, v1  }
0x130: {  	v5 =	vor.u32 $0x7, v2;
	_ =	sdelay $0x3  }
0x131: {  	[tilespmem:v4+s21+$0x0] =	vst.idx.msk $0xffff, v3  }
0x132: {  	v3 =	vld.idx.msk [tilespmem:v5+s18+$0x0], $0xffff  }
0x133: {  	v4 =	vor.u32 $0x7, v1  }
0x134: {  	v5 =	vor.u32 $0x8, v2;
	_ =	sdelay $0x3  }
0x135: {  	[tilespmem:v4+s21+$0x0] =	vst.idx.msk $0xffff, v3  }
0x136: {  	v3 =	vld.idx.msk [tilespmem:v5+s18+$0x0], $0xffff  }
0x137: {  	v4 =	vor.u32 $0x8, v1  }
0x138: {  	v5 =	vor.u32 $0x9, v2;
	_ =	sdelay $0x3  }
0x139: {  	[tilespmem:v4+s21+$0x0] =	vst.idx.msk $0xffff, v3  }
0x13a: {  	v3 =	vld.idx.msk [tilespmem:v5+s18+$0x0], $0xffff  }
0x13b: {  	v4 =	vor.u32 $0x9, v1  }
0x13c: {  	v5 =	vor.u32 $0xA, v2;
	_ =	sdelay $0x3  }
0x13d: {  	[tilespmem:v4+s21+$0x0] =	vst.idx.msk $0xffff, v3  }
0x13e: {  	v3 =	vld.idx.msk [tilespmem:v5+s18+$0x0], $0xffff  }
0x13f: {  	v4 =	vor.u32 $0xA, v1  }
0x140: {  	v5 =	vor.u32 $0xB, v2;
	_ =	sdelay $0x3  }
0x141: {  	[tilespmem:v4+s21+$0x0] =	vst.idx.msk $0xffff, v3  }
0x142: {  	v3 =	vld.idx.msk [tilespmem:v5+s18+$0x0], $0xffff  }
0x143: {  	v4 =	vor.u32 $0xB, v1  }
0x144: {  	v5 =	vor.u32 $0xC, v2;
	_ =	sdelay $0x3  }
0x145: {  	[tilespmem:v4+s21+$0x0] =	vst.idx.msk $0xffff, v3  }
0x146: {  	v3 =	vld.idx.msk [tilespmem:v5+s18+$0x0], $0xffff  }
0x147: {  	v4 =	vor.u32 $0xC, v1  }
0x148: {  	v5 =	vor.u32 $0xD, v2;
	_ =	sdelay $0x3  }
0x149: {  	[tilespmem:v4+s21+$0x0] =	vst.idx.msk $0xffff, v3  }
0x14a: {  	v3 =	vld.idx.msk [tilespmem:v5+s18+$0x0], $0xffff  }
0x14b: {  	v4 =	vor.u32 $0xD, v1  }
0x14c: {  	v5 =	vor.u32 $0xE, v2;
	_ =	sdelay $0x3  }
0x14d: {  	[tilespmem:v4+s21+$0x0] =	vst.idx.msk $0xffff, v3  }
0x14e: {  	v3 =	vld.idx.msk [tilespmem:v5+s18+$0x0], $0xffff  }
0x14f: {  	v4 =	vor.u32 $0xE, v1  }
0x150: {  	v2 =	vor.u32 $0xF, v2;
	_ =	sdelay $0x1  }
.Ltmp2:
0x151: {  	(pc) =	sbr.rel @p0 .LBB2_7-.Ltmp2, $4  }
0x152: {  	_ = 	snop  }
0x153: {  	[tilespmem:v4+s21+$0x0] =	vst.idx.msk $0xffff, v3  }
0x154: {  	v2 =	vld.idx.msk [tilespmem:v2+s18+$0x0], $0xffff  }
0x155: {  	v1 =	vor.u32 $0xF, v1  }
0x156: {  	_ = 	snop  }
0x157: {  	s6 =	sshll.u32 s14, $0xE  }
0x158: {  	s6 =	sadd.s32 s10, s6  }
0x159: {  	s6 =	sshrl.u32 s6, $0x3  }
0x15a: {  	s7 =	simm.s32 $0x0;
	[tilespmem:v1+s21+$0x0] =	vst.idx.msk $0xffff, v2;
	s6 =	sadd.s32 s5, s6  }
0x15b: {  	[hbm4b:s6+s7] =	stream.linear.scatter [tilespmem:s21], [sflag:$0x5], $0x4000, $0x38;
	[tilespmem:$0x19000] =	vst v63  }
0x15c: {  	_ =	swait.ge [sflag:s13], $0x4000  }
0x15d: {  	[sflag:s13] =	ssyncset.done $0x0  }
0x15e: {  	[sflag:s13] =	ssyncadd.s32 $0xFFFFC000  }
0x15f: {  	_ =	swait.ge [sflag:s24], $0x4000  }
0x160: {  	[sflag:s24] =	ssyncset.done $0x0  }
0x161: {  	[sflag:s24] =	ssyncadd.s32 $0xFFFFC000  }
0x162: {  	v1 =	vld [tilespmem:s31+$0x0];
	_ =	sdelay $0x2  }
0x163: {  	v2 =	vmov s7  }
0x164: {  	v2 =	vshll.u32 v2, $0x7  }
0x165: {  	v2 =	vor.u32 v0, v2;
	v3 =	vand.u32 $0xFFFFFF80, v1  }
0x166: {  	v1 =	vand.u32 $0x7F, v1;
	v2 =	vadd.s32 v2, v3  }
0x167: {  	v1 =	vor.u32 v1, v2;
	_ =	sdelay $0x4  }
0x168: {  	v1 =	vld.idx.msk [tilespmem:v1+s19+$0x0], $0xffff;
	_ =	sdelay $0x4  }
0x169: {  	s7 =	sadd.s32 $0x10, s31;
	[tilespmem:s0+$0x0] =	vst v1  }
0x16a: {  	s9 =	simm.s32 $0x10;
	s11 =	simm.s32 $0x20;
	s6 =	smov.u32 s0;
	v1 =	vld [tilespmem:s7+$0x0]  }
.LBB2_9:
0x16b: {  	p0 =	sne.s32 s11, $0x70;
	_ =	sdelay $0x1  }
0x16c: {  	v2 =	vmov s9;
	s9 =	smov.u32 s11  }
0x16d: {  	v2 =	vshll.u32 v2, $0x7  }
0x16e: {  	v2 =	vor.u32 v0, v2;
	v3 =	vand.u32 $0xFFFFFF80, v1  }
0x16f: {  	v1 =	vand.u32 $0x7F, v1;
	v2 =	vadd.s32 v2, v3  }
0x170: {  	v1 =	vor.u32 v1, v2;
	_ =	sdelay $0x4  }
0x171: {  	v1 =	vld.idx.msk [tilespmem:v1+s19+$0x0], $0xffff;
	_ =	sdelay $0x2  }
.Ltmp3:
0x172: {  	(pc) =	sbr.rel @p0 .LBB2_9-.Ltmp3, $4  }
0x173: {  	_ = 	snop  }
0x174: {  	s6 =	sadd.s32 $0x10, s6  }
0x175: {  	s7 =	sadd.s32 $0x10, s7;
	[tilespmem:s6+$0x0] =	vst v1  }
0x176: {  	s11 =	sadd.s32 $0x10, s11;
	v1 =	vld [tilespmem:s7+$0x0]  }
0x177: {  	_ =	sdelay $0x1  }
0x178: {  	v2 =	vmov s9  }
0x179: {  	v2 =	vshll.u32 v2, $0x7  }
0x17a: {  	v2 =	vor.u32 v0, v2;
	v3 =	vand.u32 $0xFFFFFF80, v1  }
0x17b: {  	v1 =	vand.u32 $0x7F, v1;
	v2 =	vadd.s32 v2, v3  }
0x17c: {  	v1 =	vor.u32 v1, v2;
	_ =	sdelay $0x3  }
0x17d: {  	s25 =	sadd.s32 $0x1, s25  }
0x17e: {  	p0 =	sne.s32 s25, $0xD;
	v1 =	vld.idx.msk [tilespmem:v1+s19+$0x0], $0xffff  }
.Ltmp4:
0x17f: {  	_ = 	snop;
	(pc) =	sbr.rel @p0 .LBB2_2-.Ltmp4, $4  }
0x180: {  	_ = 	snop  }
0x181: {  	s6 =	sadd.s32 $0x10, s6  }
0x182: {  	s8 =	sadd.s32 $0x100, s8;
	s1 =	sadd.s32 $0x100, s1;
	s29 =	sadd.s32 $0x100, s29  }
0x183: {  	s30 =	sadd.s32 $0x100, s30;
	s31 =	sadd.s32 $0x100, s31;
	s0 =	sadd.s32 $0x100, s0;
	[tilespmem:s6+$0x0] =	vst v1  }
0x184: {  	s26 =	sadd.s32 $0x1, s26  }
0x185: {  	p0 =	sne.s32 s26, s12  }
.Ltmp5:
0x186: {  	s0 =	rddreg [dreg:$0x6];
	s1 =	simm.s32 $0x18000;
	(pc) =	sbr.rel @p0 .LBB2_1-.Ltmp5, $4  }
0x187: {  	[hbm4b:s0+s2] =	stream.linear.scatter [tilespmem:s1], [sflag:$0x5], $0xD00, $0x38;
	[tilespmem:$0x19000] =	vst v63  }
0x188: {  	_ =	swait.ge [sflag:s13], $0xD00  }
0x189: {  	[sflag:s13] =	ssyncset.done $0x0  }
0x18a: {  	[sflag:s13] =	ssyncadd.s32 $0xFFFFF300  }
0x18b: {  	_ =	sfence.sel $0x180000  }
0x18c: {  	[bflag:$0x0] =	sbarrier.arrive $0xFFFF  }
0x18d: {  	_ =	strace $0x90000047  }
0x18e: {  	s0 =	stileid.u32;
	[bflag:$0x2] =	sbarrier.arrive $0xFFFF  }
0x18f: {  	p0 =	sne.s32 s0, $0x0;
	s0 =	rddreg [dreg:$0x1]  }
0x190: {  	s0 =	sadd.s32 @!p0 $0x100000, s0  }
0x191: {  	[sflag:s0] =	ssyncadd.tile.s32 @!p0 $0x1;
	_ =	shalt  }
.Lfunc_end2:
_tile_overlayer_lowered:
.L_overlay_start_2:
0x192: {  	(tag) =	ssettag $0x2  }
0x193: {  	s0 =	rddreg [dreg:$0x0];
	s2 =	stileid.u32  }
0x194: {  	s1 =	rddreg [dreg:$0x1];
	p0 =	sne.s32 s2, $0x0  }
0x195: {  	s3 =	rddreg [dreg:$0x2];
	[bflag:$0x3] =	sbarrier.arrive $0xFFFF;
	s2 =	simm.s32 @!p0 $0x1C05  }
0x196: {  	[timem:s3], [sflag:s2] =	dma.local @!p0 [hbm:s0], s1  }
0x197: {  	s0 =	simm.s32 @!p0 $0x5  }
0x198: {  	_ =	swait.ge @!p0 [sflag:s0], s1  }
0x199: {  	s1 =	ssub.s32 @!p0 $0x0, s1;
	[sflag:s0] =	ssyncset.done @!p0 $0x0  }
0x19a: {  	[sflag:s0] =	ssyncadd.s32 @!p0 s1  }
0x19b: {  	[bflag:$0x3] =	sbarrier.arrive $0xFFFF  }
0x19c: {  	_ =	shalt  }

</sc_bundles>
